<compile_context>
chip_gen: v7x
topology: tpu7x:2x2x1
jax: 0.10.2.dev20260603
libtpu: 0.0.44.dev20260713+nightly
codegen_flags: <defaults>
</compile_context>

<pallas_src>
import functools

import jax
import jax.numpy as jnp
from jax import lax
from jax.experimental import pallas as pl
from jax.experimental.pallas import tpu as pltpu
from jax.experimental.pallas import tpu_sc as plsc

_VOCAB = 1000000
_D = 64
_C = 2
_B = 4096
_SEQ = 200

_NC = 2
_NS = 16
_NW = _NC * _NS
_BPW = _B // _NW
_LANES = 16
_GPW = _BPW // _LANES

_NB = 32768
_GRID = (_VOCAB + _NB - 1) // _NB


def _proj_body(w_ref, tt_ref, o0_ref, o1_ref):
    res = jnp.dot(w_ref[...], tt_ref[...], preferred_element_type=jnp.float32)
    o0_ref[...] = res[0, :]
    o1_ref[...] = res[1, :]


_proj = pl.pallas_call(
    _proj_body,
    grid=(_GRID,),
    in_specs=[
        pl.BlockSpec((8, _D), lambda i: (0, 0)),
        pl.BlockSpec((_D, _NB), lambda i: (0, i)),
    ],
    out_specs=[
        pl.BlockSpec((_NB,), lambda i: (i,)),
        pl.BlockSpec((_NB,), lambda i: (i,)),
    ],
    out_shape=[
        jax.ShapeDtypeStruct((_VOCAB,), jnp.float32),
        jax.ShapeDtypeStruct((_VOCAB,), jnp.float32),
    ],
)

_WAVE = 20
_NWAVE = _SEQ // _WAVE


def _pool_body(xt_hbm, t0_hbm, t1_hbm, b_hbm, out_hbm,
               idx_v, g0_v, g1_v, b_v, o0_v, o1_v, sem0, sem1):
    wid = lax.axis_index("s") * _NC + lax.axis_index("c")
    base = wid * _BPW

    pltpu.sync_copy(xt_hbm.at[:, pl.ds(base, _BPW)], idx_v)
    pltpu.sync_copy(b_hbm, b_v)

    sems = (sem0, sem1)
    planes = ((t0_hbm, g0_v), (t1_hbm, g1_v))

    def copies(j, sem):
        return [pltpu.make_async_copy(src.at[idx_v.at[j]],
                                      buf.at[pl.ds(j * _BPW, _BPW)], sem)
                for src, buf in planes]

    def fire_wave(w, par):
        def f1(j, _):
            for c in copies(j, sems[par]):
                c.start()
            return 0
        lax.fori_loop(w * _WAVE, (w + 1) * _WAVE, f1, 0)

    def wait_wave(w, par):
        def f1(j, _):
            for c in copies(j, sems[par]):
                c.wait()
            return 0
        lax.fori_loop(w * _WAVE, (w + 1) * _WAVE, f1, 0)

    fire_wave(0, 0)

    def outer(i, _):
        for par in range(2):
            w = 2 * i + par

            @pl.when(w + 1 < _NWAVE)
            def _fire():
                fire_wave(w + 1, 1 - par)

            wait_wave(w, par)
        return 0

    lax.fori_loop(0, _NWAVE // 2, outer, 0)

    zero = jnp.zeros((_LANES,), jnp.float32)

    def rbody(j, carry):
        acc = list(carry)
        for g in range(_GPW):
            off = j * _BPW + g * _LANES
            acc[g] = acc[g] + g0_v[pl.ds(off, _LANES)]
            acc[_GPW + g] = acc[_GPW + g] + g1_v[pl.ds(off, _LANES)]
        return tuple(acc)

    acc = lax.fori_loop(0, _SEQ, rbody, (zero,) * (2 * _GPW))
    for g in range(_GPW):
        o0_v[pl.ds(g * _LANES, _LANES)] = acc[g] + b_v[0, :]
        o1_v[pl.ds(g * _LANES, _LANES)] = acc[_GPW + g] + b_v[1, :]

    pltpu.sync_copy(o0_v, out_hbm.at[pl.ds(base, _BPW)])
    pltpu.sync_copy(o1_v, out_hbm.at[pl.ds(_B + base, _BPW)])


@functools.partial(
    pl.kernel,
    out_type=jax.ShapeDtypeStruct((_C * _B,), jnp.float32),
    mesh=plsc.VectorSubcoreMesh(core_axis_name="c", subcore_axis_name="s"),
    scratch_types=[
        pltpu.VMEM((_SEQ, _BPW), jnp.int32),
        pltpu.VMEM((_SEQ * _BPW,), jnp.float32),
        pltpu.VMEM((_SEQ * _BPW,), jnp.float32),
        pltpu.VMEM((_C, _LANES), jnp.float32),
        pltpu.VMEM((_BPW,), jnp.float32),
        pltpu.VMEM((_BPW,), jnp.float32),
        pltpu.SemaphoreType.DMA,
        pltpu.SemaphoreType.DMA,
    ],
    compiler_params=pltpu.CompilerParams(use_tc_tiling_on_sc=False,
                                         needs_layout_passes=False),
)
def _sc_pool(xt_hbm, t0_hbm, t1_hbm, b_hbm, out_hbm,
             idx_v, g0_v, g1_v, b_v, o0_v, o1_v, sem0, sem1):
    _pool_body(xt_hbm, t0_hbm, t1_hbm, b_hbm, out_hbm,
               idx_v, g0_v, g1_v, b_v, o0_v, o1_v, sem0, sem1)


def kernel(x, table, W, b):
    w8 = jnp.zeros((8, _D), jnp.float32).at[:_C].set(
        W.astype(jnp.float32) * (1.0 / _SEQ))
    t0, t1 = _proj(w8, table.T)
    b_bcast = jnp.broadcast_to(b.astype(jnp.float32)[:, None], (_C, _LANES))
    out = _sc_pool(x.T.astype(jnp.int32), t0, t1, b_bcast)
    return out.reshape(_C, _B).T

# --- scband reference (transcript-rebuilt; emitter-appended) ---
"""Pipeline reference for scband-baseline-model-44779329028447 (READ-ONLY COPY).

The authoritative reference and input builder live on the scoring server;
editing this copy changes nothing except your own understanding.
"""

import jax, jax.numpy as jnp
import numpy as np

VOCAB = 1000000
EMBED_DIM = 64
NUM_CLASSES = 2
BATCH = 4096
SEQ = 200


def setup_inputs(seed: int = 0) -> dict:
    key = jax.random.key(seed)
    k_idx, k_tab, k_w, k_b = jax.random.split(key, 4)
    x = jax.random.randint(k_idx, (BATCH, SEQ), 0, VOCAB, dtype=jnp.int64 if jax.config.jax_enable_x64 else jnp.int32)
    table = jax.random.normal(k_tab, (VOCAB, EMBED_DIM), dtype=jnp.float32)
    W = jax.random.normal(k_w, (NUM_CLASSES, EMBED_DIM), dtype=jnp.float32) * (1.0 / np.sqrt(EMBED_DIM))
    b = jnp.zeros((NUM_CLASSES,), dtype=jnp.float32)
    return {"x": x, "table": table, "W": W, "b": b}


def reference(x, table, W, b):
    # nn.Embedding lookup: gather rows of the table
    emb = jnp.take(table, x, axis=0)          # [B, L, D]
    pooled = emb.mean(axis=1)                 # [B, D]
    logits = pooled @ W.T + b                 # [B, num_classes]
    return logits

if __name__ == "__main__":
    import jax
    _d = setup_inputs()
    print(jax.jit(kernel)(*tuple(_d.values())))

</pallas_src>

<mosaic_0001>
#map = affine_map<(d0, d1) -> (0, 0)>
#map1 = affine_map<(d0, d1) -> (0)>
module attributes {stable_mosaic.version = 14 : i64} {
  func.func @_sc_pool(%arg0: i32, %arg1: i32, %arg2: memref<200x4096xi32, #tpu.memory_space<hbm>>, %arg3: memref<1000000xf32, #tpu.memory_space<hbm>>, %arg4: memref<1000000xf32, #tpu.memory_space<hbm>>, %arg5: memref<2x16xf32, #tpu.memory_space<hbm>>, %arg6: memref<8192xf32, #tpu.memory_space<hbm>>, %arg7: memref<200x128xi32, #tpu.memory_space<vmem>>, %arg8: memref<25600xf32, #tpu.memory_space<vmem>>, %arg9: memref<25600xf32, #tpu.memory_space<vmem>>, %arg10: memref<2x16xf32, #tpu.memory_space<vmem>>, %arg11: memref<128xf32, #tpu.memory_space<vmem>>, %arg12: memref<128xf32, #tpu.memory_space<vmem>>, %arg13: memref<!tpu.dma_semaphore, #tpu.memory_space<semaphore_mem>>, %arg14: memref<!tpu.dma_semaphore, #tpu.memory_space<semaphore_mem>>) attributes {dimension_semantics = [#tpu.dimension_semantics<core_parallel>, #tpu.dimension_semantics<subcore_parallel>], iteration_bounds = array<i64: 2, 16>, scalar_prefetch = 0 : i64, scratch_operands = 8 : i64, tpu.core_type = #tpu.core_type<sc_vector_subcore>, window_params = [{transform_indices = #map}, {transform_indices = #map1}, {transform_indices = #map1}, {transform_indices = #map}, {transform_indices = #map1}]} {
    %mul3A = arith.constant 2 : i32
    %mul3A_0 = arith.muli %arg1, %mul3A : i32
    %add3A = arith.addi %mul3A_0, %arg0 : i32
    %mul3A_1 = arith.constant 128 : i32
    %mul3A_2 = arith.muli %add3A, %mul3A_1 : i32
    "tpu.region"() ({
      %run_scoped3A = tpu.sem_alloc : memref<!tpu.dma_semaphore, #tpu.memory_space<semaphore_mem>>
      %dma_start3A = arith.constant 0 : i32
      %dma_start3A_135 = tpu.memref_slice %arg2[%dma_start3A, %mul3A_2] : memref<200x4096xi32, #tpu.memory_space<hbm>> -> memref<200x128xi32, #tpu.memory_space<hbm>>
      %dma_start3A_136 = arith.constant 0 : i32
      %dma_start3A_137 = tpu.memref_slice %arg2[%dma_start3A_136, %mul3A_2] : memref<200x4096xi32, #tpu.memory_space<hbm>> -> memref<200x128xi32, #tpu.memory_space<hbm>>
      tpu.enqueue_dma source(%dma_start3A_137 : memref<200x128xi32, #tpu.memory_space<hbm>>) target(%arg7 : memref<200x128xi32, #tpu.memory_space<vmem>>) target_semaphore(%run_scoped3A : memref<!tpu.dma_semaphore, #tpu.memory_space<semaphore_mem>>)
      %dma_wait3A = arith.constant 0 : i32
      %dma_wait3A_138 = tpu.memref_slice %arg2[%dma_wait3A, %mul3A_2] : memref<200x4096xi32, #tpu.memory_space<hbm>> -> memref<200x128xi32, #tpu.memory_space<hbm>>
      %dma_wait3A_139 = arith.constant 0 : i32
      %dma_wait3A_140 = tpu.memref_slice %arg2[%dma_wait3A_139, %mul3A_2] : memref<200x4096xi32, #tpu.memory_space<hbm>> -> memref<200x128xi32, #tpu.memory_space<hbm>>
      tpu.wait_dma2 semaphore(%run_scoped3A : memref<!tpu.dma_semaphore, #tpu.memory_space<semaphore_mem>>) src(%dma_wait3A_140 : memref<200x128xi32, #tpu.memory_space<hbm>>) dst(%arg7 : memref<200x128xi32, #tpu.memory_space<vmem>>)
      tpu.yield
    }) : () -> ()
    "tpu.region"() ({
      %run_scoped3A = tpu.sem_alloc : memref<!tpu.dma_semaphore, #tpu.memory_space<semaphore_mem>>
      tpu.enqueue_dma source(%arg5 : memref<2x16xf32, #tpu.memory_space<hbm>>) target(%arg10 : memref<2x16xf32, #tpu.memory_space<vmem>>) target_semaphore(%run_scoped3A : memref<!tpu.dma_semaphore, #tpu.memory_space<semaphore_mem>>)
      tpu.wait_dma2 semaphore(%run_scoped3A : memref<!tpu.dma_semaphore, #tpu.memory_space<semaphore_mem>>) src(%arg5 : memref<2x16xf32, #tpu.memory_space<hbm>>) dst(%arg10 : memref<2x16xf32, #tpu.memory_space<vmem>>)
      tpu.yield
    }) : () -> ()
    %scan3A = arith.constant 0 : i32
    %scan3A_3 = arith.constant 0 : i32
    %scan3A_4 = arith.constant 20 : i32
    %scan3A_5 = arith.addi %scan3A_3, %scan3A_4 : i32
    %scan3A_6 = arith.constant 1 : i32
    %scan3A_7 = scf.for %scan3A_135 = %scan3A_3 to %scan3A_5 step %scan3A_6 iter_args(%scan3A_136 = %scan3A) -> (i32)  : i32 {
      %mul3A_137 = arith.constant 128 : i32
      %mul3A_138 = arith.muli %scan3A_135, %mul3A_137 : i32
      %mul3A_139 = arith.constant 128 : i32
      %mul3A_140 = arith.muli %scan3A_135, %mul3A_139 : i32
      %dma_start3A = tpu.memref_slice %arg8[%mul3A_138] : memref<25600xf32, #tpu.memory_space<vmem>> -> memref<128xf32, #tpu.memory_space<vmem>>
      %dma_start3A_141 = arith.constant 0 : i32
      %dma_start3A_142 = tpu.memref_slice %arg7[%scan3A_135, %dma_start3A_141] : memref<200x128xi32, #tpu.memory_space<vmem>> -> memref<1x128xi32, #tpu.memory_space<vmem>>
      %dma_start3A_143 = tpu.memref_squeeze %dma_start3A_142 : memref<1x128xi32, #tpu.memory_space<vmem>> -> memref<128xi32, #tpu.memory_space<vmem>>
      %dma_start3A_144 = arith.constant 0 : i32
      %dma_start3A_145 = tpu.memref_slice %arg3[%dma_start3A_144] : memref<1000000xf32, #tpu.memory_space<hbm>> -> memref<1000000xf32, #tpu.memory_space<hbm>>
      tpu.enqueue_indirect_dma source(%dma_start3A_145 : memref<1000000xf32, #tpu.memory_space<hbm>>) target(%dma_start3A : memref<128xf32, #tpu.memory_space<vmem>>) offsets(%dma_start3A_143 : memref<128xi32, #tpu.memory_space<vmem>>) semaphore(%arg13 : memref<!tpu.dma_semaphore, #tpu.memory_space<semaphore_mem>>)
      %dma_start3A_146 = tpu.memref_slice %arg9[%mul3A_140] : memref<25600xf32, #tpu.memory_space<vmem>> -> memref<128xf32, #tpu.memory_space<vmem>>
      %dma_start3A_147 = arith.constant 0 : i32
      %dma_start3A_148 = tpu.memref_slice %arg7[%scan3A_135, %dma_start3A_147] : memref<200x128xi32, #tpu.memory_space<vmem>> -> memref<1x128xi32, #tpu.memory_space<vmem>>
      %dma_start3A_149 = tpu.memref_squeeze %dma_start3A_148 : memref<1x128xi32, #tpu.memory_space<vmem>> -> memref<128xi32, #tpu.memory_space<vmem>>
      %dma_start3A_150 = arith.constant 0 : i32
      %dma_start3A_151 = tpu.memref_slice %arg4[%dma_start3A_150] : memref<1000000xf32, #tpu.memory_space<hbm>> -> memref<1000000xf32, #tpu.memory_space<hbm>>
      tpu.enqueue_indirect_dma source(%dma_start3A_151 : memref<1000000xf32, #tpu.memory_space<hbm>>) target(%dma_start3A_146 : memref<128xf32, #tpu.memory_space<vmem>>) offsets(%dma_start3A_149 : memref<128xi32, #tpu.memory_space<vmem>>) semaphore(%arg13 : memref<!tpu.dma_semaphore, #tpu.memory_space<semaphore_mem>>)
      %scan3A_152 = arith.constant 0 : i32
      scf.yield %scan3A_152 : i32
    }
    %scan3A_8 = arith.constant 20 : i32
    %scan3A_9 = arith.constant 0 : i32
    %scan3A_10 = arith.constant 0 : i32
    %scan3A_11 = arith.constant 5 : i32
    %scan3A_12 = arith.addi %scan3A_10, %scan3A_11 : i32
    %scan3A_13 = arith.constant 1 : i32
    %scan3A_14 = scf.for %scan3A_135 = %scan3A_10 to %scan3A_12 step %scan3A_13 iter_args(%scan3A_136 = %scan3A_9) -> (i32)  : i32 {
      %mul3A_137 = arith.constant 2 : i32
      %mul3A_138 = arith.muli %mul3A_137, %scan3A_135 : i32
      %add3A_139 = arith.constant 0 : i32
      %add3A_140 = arith.addi %mul3A_138, %add3A_139 : i32
      %add3A_141 = arith.constant 1 : i32
      %add3A_142 = arith.addi %add3A_140, %add3A_141 : i32
      %lt3A = arith.constant 10 : i32
      %lt3A_143 = arith.cmpi slt, %add3A_142, %lt3A : i32
      %convert_element_type3A = arith.extui %lt3A_143 : i1 to i32
      %cond3A = arith.constant 0 : i32
      %cond3A_144 = arith.cmpi ne, %convert_element_type3A, %cond3A : i32
      scf.if %cond3A_144 {
        %add3A_190 = arith.constant 1 : i32
        %add3A_191 = arith.addi %add3A_140, %add3A_190 : i32
        %mul3A_192 = arith.constant 20 : i32
        %mul3A_193 = arith.muli %add3A_191, %mul3A_192 : i32
        %add3A_194 = arith.constant 1 : i32
        %add3A_195 = arith.addi %add3A_191, %add3A_194 : i32
        %mul3A_196 = arith.constant 20 : i32
        %mul3A_197 = arith.muli %add3A_195, %mul3A_196 : i32
        %while3A_198 = arith.constant 0 : i32
        %while3A_199 = arith.subi %mul3A_197, %mul3A_193 : i32
        %while3A_200 = arith.addi %mul3A_193, %while3A_199 : i32
        %while3A_201 = arith.constant 1 : i32
        %while3A_202 = arith.divsi %while3A_199, %while3A_201 : i32
        %while3A_203 = arith.muli %while3A_202, %while3A_201 : i32
        %while3A_204 = arith.addi %mul3A_193, %while3A_203 : i32
        %while3A_205 = arith.constant 1 : i32
        %while3A_206 = scf.for %while3A_209 = %mul3A_193 to %while3A_204 step %while3A_205 iter_args(%while3A_210 = %while3A_198) -> (i32)  : i32 {
          %mul3A_211 = arith.constant 128 : i32
          %mul3A_212 = arith.muli %while3A_209, %mul3A_211 : i32
          %mul3A_213 = arith.constant 128 : i32
          %mul3A_214 = arith.muli %while3A_209, %mul3A_213 : i32
          %dma_start3A = tpu.memref_slice %arg8[%mul3A_212] : memref<25600xf32, #tpu.memory_space<vmem>> -> memref<128xf32, #tpu.memory_space<vmem>>
          %dma_start3A_215 = arith.constant 0 : i32
          %dma_start3A_216 = tpu.memref_slice %arg7[%while3A_209, %dma_start3A_215] : memref<200x128xi32, #tpu.memory_space<vmem>> -> memref<1x128xi32, #tpu.memory_space<vmem>>
          %dma_start3A_217 = tpu.memref_squeeze %dma_start3A_216 : memref<1x128xi32, #tpu.memory_space<vmem>> -> memref<128xi32, #tpu.memory_space<vmem>>
          %dma_start3A_218 = arith.constant 0 : i32
          %dma_start3A_219 = tpu.memref_slice %arg3[%dma_start3A_218] : memref<1000000xf32, #tpu.memory_space<hbm>> -> memref<1000000xf32, #tpu.memory_space<hbm>>
          tpu.enqueue_indirect_dma source(%dma_start3A_219 : memref<1000000xf32, #tpu.memory_space<hbm>>) target(%dma_start3A : memref<128xf32, #tpu.memory_space<vmem>>) offsets(%dma_start3A_217 : memref<128xi32, #tpu.memory_space<vmem>>) semaphore(%arg14 : memref<!tpu.dma_semaphore, #tpu.memory_space<semaphore_mem>>)
          %dma_start3A_220 = tpu.memref_slice %arg9[%mul3A_214] : memref<25600xf32, #tpu.memory_space<vmem>> -> memref<128xf32, #tpu.memory_space<vmem>>
          %dma_start3A_221 = arith.constant 0 : i32
          %dma_start3A_222 = tpu.memref_slice %arg7[%while3A_209, %dma_start3A_221] : memref<200x128xi32, #tpu.memory_space<vmem>> -> memref<1x128xi32, #tpu.memory_space<vmem>>
          %dma_start3A_223 = tpu.memref_squeeze %dma_start3A_222 : memref<1x128xi32, #tpu.memory_space<vmem>> -> memref<128xi32, #tpu.memory_space<vmem>>
          %dma_start3A_224 = arith.constant 0 : i32
          %dma_start3A_225 = tpu.memref_slice %arg4[%dma_start3A_224] : memref<1000000xf32, #tpu.memory_space<hbm>> -> memref<1000000xf32, #tpu.memory_space<hbm>>
          tpu.enqueue_indirect_dma source(%dma_start3A_225 : memref<1000000xf32, #tpu.memory_space<hbm>>) target(%dma_start3A_220 : memref<128xf32, #tpu.memory_space<vmem>>) offsets(%dma_start3A_223 : memref<128xi32, #tpu.memory_space<vmem>>) semaphore(%arg14 : memref<!tpu.dma_semaphore, #tpu.memory_space<semaphore_mem>>)
          %while3A_226 = arith.constant 0 : i32
          scf.yield %while3A_226 : i32
        }
        %while3A_207 = arith.constant 1 : i32
        %while3A_208 = scf.for %while3A_209 = %while3A_204 to %while3A_200 step %while3A_207 iter_args(%while3A_210 = %while3A_206) -> (i32)  : i32 {
          %mul3A_211 = arith.constant 128 : i32
          %mul3A_212 = arith.muli %while3A_209, %mul3A_211 : i32
          %mul3A_213 = arith.constant 128 : i32
          %mul3A_214 = arith.muli %while3A_209, %mul3A_213 : i32
          %dma_start3A = tpu.memref_slice %arg8[%mul3A_212] : memref<25600xf32, #tpu.memory_space<vmem>> -> memref<128xf32, #tpu.memory_space<vmem>>
          %dma_start3A_215 = arith.constant 0 : i32
          %dma_start3A_216 = tpu.memref_slice %arg7[%while3A_209, %dma_start3A_215] : memref<200x128xi32, #tpu.memory_space<vmem>> -> memref<1x128xi32, #tpu.memory_space<vmem>>
          %dma_start3A_217 = tpu.memref_squeeze %dma_start3A_216 : memref<1x128xi32, #tpu.memory_space<vmem>> -> memref<128xi32, #tpu.memory_space<vmem>>
          %dma_start3A_218 = arith.constant 0 : i32
          %dma_start3A_219 = tpu.memref_slice %arg3[%dma_start3A_218] : memref<1000000xf32, #tpu.memory_space<hbm>> -> memref<1000000xf32, #tpu.memory_space<hbm>>
          tpu.enqueue_indirect_dma source(%dma_start3A_219 : memref<1000000xf32, #tpu.memory_space<hbm>>) target(%dma_start3A : memref<128xf32, #tpu.memory_space<vmem>>) offsets(%dma_start3A_217 : memref<128xi32, #tpu.memory_space<vmem>>) semaphore(%arg14 : memref<!tpu.dma_semaphore, #tpu.memory_space<semaphore_mem>>)
          %dma_start3A_220 = tpu.memref_slice %arg9[%mul3A_214] : memref<25600xf32, #tpu.memory_space<vmem>> -> memref<128xf32, #tpu.memory_space<vmem>>
          %dma_start3A_221 = arith.constant 0 : i32
          %dma_start3A_222 = tpu.memref_slice %arg7[%while3A_209, %dma_start3A_221] : memref<200x128xi32, #tpu.memory_space<vmem>> -> memref<1x128xi32, #tpu.memory_space<vmem>>
          %dma_start3A_223 = tpu.memref_squeeze %dma_start3A_222 : memref<1x128xi32, #tpu.memory_space<vmem>> -> memref<128xi32, #tpu.memory_space<vmem>>
          %dma_start3A_224 = arith.constant 0 : i32
          %dma_start3A_225 = tpu.memref_slice %arg4[%dma_start3A_224] : memref<1000000xf32, #tpu.memory_space<hbm>> -> memref<1000000xf32, #tpu.memory_space<hbm>>
          tpu.enqueue_indirect_dma source(%dma_start3A_225 : memref<1000000xf32, #tpu.memory_space<hbm>>) target(%dma_start3A_220 : memref<128xf32, #tpu.memory_space<vmem>>) offsets(%dma_start3A_223 : memref<128xi32, #tpu.memory_space<vmem>>) semaphore(%arg14 : memref<!tpu.dma_semaphore, #tpu.memory_space<semaphore_mem>>)
          %while3A_226 = arith.constant 0 : i32
          scf.yield %while3A_226 : i32
        }
      } else {
      }
      %mul3A_145 = arith.constant 20 : i32
      %mul3A_146 = arith.muli %add3A_140, %mul3A_145 : i32
      %add3A_147 = arith.constant 1 : i32
      %add3A_148 = arith.addi %add3A_140, %add3A_147 : i32
      %mul3A_149 = arith.constant 20 : i32
      %mul3A_150 = arith.muli %add3A_148, %mul3A_149 : i32
      %while3A = arith.constant 0 : i32
      %while3A_151 = arith.subi %mul3A_150, %mul3A_146 : i32
      %while3A_152 = arith.addi %mul3A_146, %while3A_151 : i32
      %while3A_153 = arith.constant 1 : i32
      %while3A_154 = arith.divsi %while3A_151, %while3A_153 : i32
      %while3A_155 = arith.muli %while3A_154, %while3A_153 : i32
      %while3A_156 = arith.addi %mul3A_146, %while3A_155 : i32
      %while3A_157 = arith.constant 1 : i32
      %while3A_158 = scf.for %while3A_190 = %mul3A_146 to %while3A_156 step %while3A_157 iter_args(%while3A_191 = %while3A) -> (i32)  : i32 {
        %mul3A_192 = arith.constant 128 : i32
        %mul3A_193 = arith.muli %while3A_190, %mul3A_192 : i32
        %mul3A_194 = arith.constant 128 : i32
        %mul3A_195 = arith.muli %while3A_190, %mul3A_194 : i32
        %dma_wait3A = tpu.memref_slice %arg8[%mul3A_193] : memref<25600xf32, #tpu.memory_space<vmem>> -> memref<128xf32, #tpu.memory_space<vmem>>
        %dma_wait3A_196 = arith.constant 0 : i32
        %dma_wait3A_197 = tpu.memref_slice %arg7[%while3A_190, %dma_wait3A_196] : memref<200x128xi32, #tpu.memory_space<vmem>> -> memref<1x128xi32, #tpu.memory_space<vmem>>
        %dma_wait3A_198 = tpu.memref_squeeze %dma_wait3A_197 : memref<1x128xi32, #tpu.memory_space<vmem>> -> memref<128xi32, #tpu.memory_space<vmem>>
        %dma_wait3A_199 = arith.constant 0 : i32
        %dma_wait3A_200 = tpu.memref_slice %arg3[%dma_wait3A_199] : memref<1000000xf32, #tpu.memory_space<hbm>> -> memref<1000000xf32, #tpu.memory_space<hbm>>
        tpu.wait_indirect_dma semaphore(%arg13 : memref<!tpu.dma_semaphore, #tpu.memory_space<semaphore_mem>>) src(%dma_wait3A_200 : memref<1000000xf32, #tpu.memory_space<hbm>>) dst(%dma_wait3A : memref<128xf32, #tpu.memory_space<vmem>>)
        %dma_wait3A_201 = tpu.memref_slice %arg9[%mul3A_195] : memref<25600xf32, #tpu.memory_space<vmem>> -> memref<128xf32, #tpu.memory_space<vmem>>
        %dma_wait3A_202 = arith.constant 0 : i32
        %dma_wait3A_203 = tpu.memref_slice %arg7[%while3A_190, %dma_wait3A_202] : memref<200x128xi32, #tpu.memory_space<vmem>> -> memref<1x128xi32, #tpu.memory_space<vmem>>
        %dma_wait3A_204 = tpu.memref_squeeze %dma_wait3A_203 : memref<1x128xi32, #tpu.memory_space<vmem>> -> memref<128xi32, #tpu.memory_space<vmem>>
        %dma_wait3A_205 = arith.constant 0 : i32
        %dma_wait3A_206 = tpu.memref_slice %arg4[%dma_wait3A_205] : memref<1000000xf32, #tpu.memory_space<hbm>> -> memref<1000000xf32, #tpu.memory_space<hbm>>
        tpu.wait_indirect_dma semaphore(%arg13 : memref<!tpu.dma_semaphore, #tpu.memory_space<semaphore_mem>>) src(%dma_wait3A_206 : memref<1000000xf32, #tpu.memory_space<hbm>>) dst(%dma_wait3A_201 : memref<128xf32, #tpu.memory_space<vmem>>)
        %while3A_207 = arith.constant 0 : i32
        scf.yield %while3A_207 : i32
      }
      %while3A_159 = arith.constant 1 : i32
      %while3A_160 = scf.for %while3A_190 = %while3A_156 to %while3A_152 step %while3A_159 iter_args(%while3A_191 = %while3A_158) -> (i32)  : i32 {
        %mul3A_192 = arith.constant 128 : i32
        %mul3A_193 = arith.muli %while3A_190, %mul3A_192 : i32
        %mul3A_194 = arith.constant 128 : i32
        %mul3A_195 = arith.muli %while3A_190, %mul3A_194 : i32
        %dma_wait3A = tpu.memref_slice %arg8[%mul3A_193] : memref<25600xf32, #tpu.memory_space<vmem>> -> memref<128xf32, #tpu.memory_space<vmem>>
        %dma_wait3A_196 = arith.constant 0 : i32
        %dma_wait3A_197 = tpu.memref_slice %arg7[%while3A_190, %dma_wait3A_196] : memref<200x128xi32, #tpu.memory_space<vmem>> -> memref<1x128xi32, #tpu.memory_space<vmem>>
        %dma_wait3A_198 = tpu.memref_squeeze %dma_wait3A_197 : memref<1x128xi32, #tpu.memory_space<vmem>> -> memref<128xi32, #tpu.memory_space<vmem>>
        %dma_wait3A_199 = arith.constant 0 : i32
        %dma_wait3A_200 = tpu.memref_slice %arg3[%dma_wait3A_199] : memref<1000000xf32, #tpu.memory_space<hbm>> -> memref<1000000xf32, #tpu.memory_space<hbm>>
        tpu.wait_indirect_dma semaphore(%arg13 : memref<!tpu.dma_semaphore, #tpu.memory_space<semaphore_mem>>) src(%dma_wait3A_200 : memref<1000000xf32, #tpu.memory_space<hbm>>) dst(%dma_wait3A : memref<128xf32, #tpu.memory_space<vmem>>)
        %dma_wait3A_201 = tpu.memref_slice %arg9[%mul3A_195] : memref<25600xf32, #tpu.memory_space<vmem>> -> memref<128xf32, #tpu.memory_space<vmem>>
        %dma_wait3A_202 = arith.constant 0 : i32
        %dma_wait3A_203 = tpu.memref_slice %arg7[%while3A_190, %dma_wait3A_202] : memref<200x128xi32, #tpu.memory_space<vmem>> -> memref<1x128xi32, #tpu.memory_space<vmem>>
        %dma_wait3A_204 = tpu.memref_squeeze %dma_wait3A_203 : memref<1x128xi32, #tpu.memory_space<vmem>> -> memref<128xi32, #tpu.memory_space<vmem>>
        %dma_wait3A_205 = arith.constant 0 : i32
        %dma_wait3A_206 = tpu.memref_slice %arg4[%dma_wait3A_205] : memref<1000000xf32, #tpu.memory_space<hbm>> -> memref<1000000xf32, #tpu.memory_space<hbm>>
        tpu.wait_indirect_dma semaphore(%arg13 : memref<!tpu.dma_semaphore, #tpu.memory_space<semaphore_mem>>) src(%dma_wait3A_206 : memref<1000000xf32, #tpu.memory_space<hbm>>) dst(%dma_wait3A_201 : memref<128xf32, #tpu.memory_space<vmem>>)
        %while3A_207 = arith.constant 0 : i32
        scf.yield %while3A_207 : i32
      }
      %mul3A_161 = arith.constant 2 : i32
      %mul3A_162 = arith.muli %mul3A_161, %scan3A_135 : i32
      %add3A_163 = arith.constant 1 : i32
      %add3A_164 = arith.addi %mul3A_162, %add3A_163 : i32
      %add3A_165 = arith.constant 1 : i32
      %add3A_166 = arith.addi %add3A_164, %add3A_165 : i32
      %lt3A_167 = arith.constant 10 : i32
      %lt3A_168 = arith.cmpi slt, %add3A_166, %lt3A_167 : i32
      %convert_element_type3A_169 = arith.extui %lt3A_168 : i1 to i32
      %cond3A_170 = arith.constant 0 : i32
      %cond3A_171 = arith.cmpi ne, %convert_element_type3A_169, %cond3A_170 : i32
      scf.if %cond3A_171 {
        %add3A_190 = arith.constant 1 : i32
        %add3A_191 = arith.addi %add3A_164, %add3A_190 : i32
        %mul3A_192 = arith.constant 20 : i32
        %mul3A_193 = arith.muli %add3A_191, %mul3A_192 : i32
        %add3A_194 = arith.constant 1 : i32
        %add3A_195 = arith.addi %add3A_191, %add3A_194 : i32
        %mul3A_196 = arith.constant 20 : i32
        %mul3A_197 = arith.muli %add3A_195, %mul3A_196 : i32
        %while3A_198 = arith.constant 0 : i32
        %while3A_199 = arith.subi %mul3A_197, %mul3A_193 : i32
        %while3A_200 = arith.addi %mul3A_193, %while3A_199 : i32
        %while3A_201 = arith.constant 1 : i32
        %while3A_202 = arith.divsi %while3A_199, %while3A_201 : i32
        %while3A_203 = arith.muli %while3A_202, %while3A_201 : i32
        %while3A_204 = arith.addi %mul3A_193, %while3A_203 : i32
        %while3A_205 = arith.constant 1 : i32
        %while3A_206 = scf.for %while3A_209 = %mul3A_193 to %while3A_204 step %while3A_205 iter_args(%while3A_210 = %while3A_198) -> (i32)  : i32 {
          %mul3A_211 = arith.constant 128 : i32
          %mul3A_212 = arith.muli %while3A_209, %mul3A_211 : i32
          %mul3A_213 = arith.constant 128 : i32
          %mul3A_214 = arith.muli %while3A_209, %mul3A_213 : i32
          %dma_start3A = tpu.memref_slice %arg8[%mul3A_212] : memref<25600xf32, #tpu.memory_space<vmem>> -> memref<128xf32, #tpu.memory_space<vmem>>
          %dma_start3A_215 = arith.constant 0 : i32
          %dma_start3A_216 = tpu.memref_slice %arg7[%while3A_209, %dma_start3A_215] : memref<200x128xi32, #tpu.memory_space<vmem>> -> memref<1x128xi32, #tpu.memory_space<vmem>>
          %dma_start3A_217 = tpu.memref_squeeze %dma_start3A_216 : memref<1x128xi32, #tpu.memory_space<vmem>> -> memref<128xi32, #tpu.memory_space<vmem>>
          %dma_start3A_218 = arith.constant 0 : i32
          %dma_start3A_219 = tpu.memref_slice %arg3[%dma_start3A_218] : memref<1000000xf32, #tpu.memory_space<hbm>> -> memref<1000000xf32, #tpu.memory_space<hbm>>
          tpu.enqueue_indirect_dma source(%dma_start3A_219 : memref<1000000xf32, #tpu.memory_space<hbm>>) target(%dma_start3A : memref<128xf32, #tpu.memory_space<vmem>>) offsets(%dma_start3A_217 : memref<128xi32, #tpu.memory_space<vmem>>) semaphore(%arg13 : memref<!tpu.dma_semaphore, #tpu.memory_space<semaphore_mem>>)
          %dma_start3A_220 = tpu.memref_slice %arg9[%mul3A_214] : memref<25600xf32, #tpu.memory_space<vmem>> -> memref<128xf32, #tpu.memory_space<vmem>>
          %dma_start3A_221 = arith.constant 0 : i32
          %dma_start3A_222 = tpu.memref_slice %arg7[%while3A_209, %dma_start3A_221] : memref<200x128xi32, #tpu.memory_space<vmem>> -> memref<1x128xi32, #tpu.memory_space<vmem>>
          %dma_start3A_223 = tpu.memref_squeeze %dma_start3A_222 : memref<1x128xi32, #tpu.memory_space<vmem>> -> memref<128xi32, #tpu.memory_space<vmem>>
          %dma_start3A_224 = arith.constant 0 : i32
          %dma_start3A_225 = tpu.memref_slice %arg4[%dma_start3A_224] : memref<1000000xf32, #tpu.memory_space<hbm>> -> memref<1000000xf32, #tpu.memory_space<hbm>>
          tpu.enqueue_indirect_dma source(%dma_start3A_225 : memref<1000000xf32, #tpu.memory_space<hbm>>) target(%dma_start3A_220 : memref<128xf32, #tpu.memory_space<vmem>>) offsets(%dma_start3A_223 : memref<128xi32, #tpu.memory_space<vmem>>) semaphore(%arg13 : memref<!tpu.dma_semaphore, #tpu.memory_space<semaphore_mem>>)
          %while3A_226 = arith.constant 0 : i32
          scf.yield %while3A_226 : i32
        }
        %while3A_207 = arith.constant 1 : i32
        %while3A_208 = scf.for %while3A_209 = %while3A_204 to %while3A_200 step %while3A_207 iter_args(%while3A_210 = %while3A_206) -> (i32)  : i32 {
          %mul3A_211 = arith.constant 128 : i32
          %mul3A_212 = arith.muli %while3A_209, %mul3A_211 : i32
          %mul3A_213 = arith.constant 128 : i32
          %mul3A_214 = arith.muli %while3A_209, %mul3A_213 : i32
          %dma_start3A = tpu.memref_slice %arg8[%mul3A_212] : memref<25600xf32, #tpu.memory_space<vmem>> -> memref<128xf32, #tpu.memory_space<vmem>>
          %dma_start3A_215 = arith.constant 0 : i32
          %dma_start3A_216 = tpu.memref_slice %arg7[%while3A_209, %dma_start3A_215] : memref<200x128xi32, #tpu.memory_space<vmem>> -> memref<1x128xi32, #tpu.memory_space<vmem>>
          %dma_start3A_217 = tpu.memref_squeeze %dma_start3A_216 : memref<1x128xi32, #tpu.memory_space<vmem>> -> memref<128xi32, #tpu.memory_space<vmem>>
          %dma_start3A_218 = arith.constant 0 : i32
          %dma_start3A_219 = tpu.memref_slice %arg3[%dma_start3A_218] : memref<1000000xf32, #tpu.memory_space<hbm>> -> memref<1000000xf32, #tpu.memory_space<hbm>>
          tpu.enqueue_indirect_dma source(%dma_start3A_219 : memref<1000000xf32, #tpu.memory_space<hbm>>) target(%dma_start3A : memref<128xf32, #tpu.memory_space<vmem>>) offsets(%dma_start3A_217 : memref<128xi32, #tpu.memory_space<vmem>>) semaphore(%arg13 : memref<!tpu.dma_semaphore, #tpu.memory_space<semaphore_mem>>)
          %dma_start3A_220 = tpu.memref_slice %arg9[%mul3A_214] : memref<25600xf32, #tpu.memory_space<vmem>> -> memref<128xf32, #tpu.memory_space<vmem>>
          %dma_start3A_221 = arith.constant 0 : i32
          %dma_start3A_222 = tpu.memref_slice %arg7[%while3A_209, %dma_start3A_221] : memref<200x128xi32, #tpu.memory_space<vmem>> -> memref<1x128xi32, #tpu.memory_space<vmem>>
          %dma_start3A_223 = tpu.memref_squeeze %dma_start3A_222 : memref<1x128xi32, #tpu.memory_space<vmem>> -> memref<128xi32, #tpu.memory_space<vmem>>
          %dma_start3A_224 = arith.constant 0 : i32
          %dma_start3A_225 = tpu.memref_slice %arg4[%dma_start3A_224] : memref<1000000xf32, #tpu.memory_space<hbm>> -> memref<1000000xf32, #tpu.memory_space<hbm>>
          tpu.enqueue_indirect_dma source(%dma_start3A_225 : memref<1000000xf32, #tpu.memory_space<hbm>>) target(%dma_start3A_220 : memref<128xf32, #tpu.memory_space<vmem>>) offsets(%dma_start3A_223 : memref<128xi32, #tpu.memory_space<vmem>>) semaphore(%arg13 : memref<!tpu.dma_semaphore, #tpu.memory_space<semaphore_mem>>)
          %while3A_226 = arith.constant 0 : i32
          scf.yield %while3A_226 : i32
        }
      } else {
      }
      %mul3A_172 = arith.constant 20 : i32
      %mul3A_173 = arith.muli %add3A_164, %mul3A_172 : i32
      %add3A_174 = arith.constant 1 : i32
      %add3A_175 = arith.addi %add3A_164, %add3A_174 : i32
      %mul3A_176 = arith.constant 20 : i32
      %mul3A_177 = arith.muli %add3A_175, %mul3A_176 : i32
      %while3A_178 = arith.constant 0 : i32
      %while3A_179 = arith.subi %mul3A_177, %mul3A_173 : i32
      %while3A_180 = arith.addi %mul3A_173, %while3A_179 : i32
      %while3A_181 = arith.constant 1 : i32
      %while3A_182 = arith.divsi %while3A_179, %while3A_181 : i32
      %while3A_183 = arith.muli %while3A_182, %while3A_181 : i32
      %while3A_184 = arith.addi %mul3A_173, %while3A_183 : i32
      %while3A_185 = arith.constant 1 : i32
      %while3A_186 = scf.for %while3A_190 = %mul3A_173 to %while3A_184 step %while3A_185 iter_args(%while3A_191 = %while3A_178) -> (i32)  : i32 {
        %mul3A_192 = arith.constant 128 : i32
        %mul3A_193 = arith.muli %while3A_190, %mul3A_192 : i32
        %mul3A_194 = arith.constant 128 : i32
        %mul3A_195 = arith.muli %while3A_190, %mul3A_194 : i32
        %dma_wait3A = tpu.memref_slice %arg8[%mul3A_193] : memref<25600xf32, #tpu.memory_space<vmem>> -> memref<128xf32, #tpu.memory_space<vmem>>
        %dma_wait3A_196 = arith.constant 0 : i32
        %dma_wait3A_197 = tpu.memref_slice %arg7[%while3A_190, %dma_wait3A_196] : memref<200x128xi32, #tpu.memory_space<vmem>> -> memref<1x128xi32, #tpu.memory_space<vmem>>
        %dma_wait3A_198 = tpu.memref_squeeze %dma_wait3A_197 : memref<1x128xi32, #tpu.memory_space<vmem>> -> memref<128xi32, #tpu.memory_space<vmem>>
        %dma_wait3A_199 = arith.constant 0 : i32
        %dma_wait3A_200 = tpu.memref_slice %arg3[%dma_wait3A_199] : memref<1000000xf32, #tpu.memory_space<hbm>> -> memref<1000000xf32, #tpu.memory_space<hbm>>
        tpu.wait_indirect_dma semaphore(%arg14 : memref<!tpu.dma_semaphore, #tpu.memory_space<semaphore_mem>>) src(%dma_wait3A_200 : memref<1000000xf32, #tpu.memory_space<hbm>>) dst(%dma_wait3A : memref<128xf32, #tpu.memory_space<vmem>>)
        %dma_wait3A_201 = tpu.memref_slice %arg9[%mul3A_195] : memref<25600xf32, #tpu.memory_space<vmem>> -> memref<128xf32, #tpu.memory_space<vmem>>
        %dma_wait3A_202 = arith.constant 0 : i32
        %dma_wait3A_203 = tpu.memref_slice %arg7[%while3A_190, %dma_wait3A_202] : memref<200x128xi32, #tpu.memory_space<vmem>> -> memref<1x128xi32, #tpu.memory_space<vmem>>
        %dma_wait3A_204 = tpu.memref_squeeze %dma_wait3A_203 : memref<1x128xi32, #tpu.memory_space<vmem>> -> memref<128xi32, #tpu.memory_space<vmem>>
        %dma_wait3A_205 = arith.constant 0 : i32
        %dma_wait3A_206 = tpu.memref_slice %arg4[%dma_wait3A_205] : memref<1000000xf32, #tpu.memory_space<hbm>> -> memref<1000000xf32, #tpu.memory_space<hbm>>
        tpu.wait_indirect_dma semaphore(%arg14 : memref<!tpu.dma_semaphore, #tpu.memory_space<semaphore_mem>>) src(%dma_wait3A_206 : memref<1000000xf32, #tpu.memory_space<hbm>>) dst(%dma_wait3A_201 : memref<128xf32, #tpu.memory_space<vmem>>)
        %while3A_207 = arith.constant 0 : i32
        scf.yield %while3A_207 : i32
      }
      %while3A_187 = arith.constant 1 : i32
      %while3A_188 = scf.for %while3A_190 = %while3A_184 to %while3A_180 step %while3A_187 iter_args(%while3A_191 = %while3A_186) -> (i32)  : i32 {
        %mul3A_192 = arith.constant 128 : i32
        %mul3A_193 = arith.muli %while3A_190, %mul3A_192 : i32
        %mul3A_194 = arith.constant 128 : i32
        %mul3A_195 = arith.muli %while3A_190, %mul3A_194 : i32
        %dma_wait3A = tpu.memref_slice %arg8[%mul3A_193] : memref<25600xf32, #tpu.memory_space<vmem>> -> memref<128xf32, #tpu.memory_space<vmem>>
        %dma_wait3A_196 = arith.constant 0 : i32
        %dma_wait3A_197 = tpu.memref_slice %arg7[%while3A_190, %dma_wait3A_196] : memref<200x128xi32, #tpu.memory_space<vmem>> -> memref<1x128xi32, #tpu.memory_space<vmem>>
        %dma_wait3A_198 = tpu.memref_squeeze %dma_wait3A_197 : memref<1x128xi32, #tpu.memory_space<vmem>> -> memref<128xi32, #tpu.memory_space<vmem>>
        %dma_wait3A_199 = arith.constant 0 : i32
        %dma_wait3A_200 = tpu.memref_slice %arg3[%dma_wait3A_199] : memref<1000000xf32, #tpu.memory_space<hbm>> -> memref<1000000xf32, #tpu.memory_space<hbm>>
        tpu.wait_indirect_dma semaphore(%arg14 : memref<!tpu.dma_semaphore, #tpu.memory_space<semaphore_mem>>) src(%dma_wait3A_200 : memref<1000000xf32, #tpu.memory_space<hbm>>) dst(%dma_wait3A : memref<128xf32, #tpu.memory_space<vmem>>)
        %dma_wait3A_201 = tpu.memref_slice %arg9[%mul3A_195] : memref<25600xf32, #tpu.memory_space<vmem>> -> memref<128xf32, #tpu.memory_space<vmem>>
        %dma_wait3A_202 = arith.constant 0 : i32
        %dma_wait3A_203 = tpu.memref_slice %arg7[%while3A_190, %dma_wait3A_202] : memref<200x128xi32, #tpu.memory_space<vmem>> -> memref<1x128xi32, #tpu.memory_space<vmem>>
        %dma_wait3A_204 = tpu.memref_squeeze %dma_wait3A_203 : memref<1x128xi32, #tpu.memory_space<vmem>> -> memref<128xi32, #tpu.memory_space<vmem>>
        %dma_wait3A_205 = arith.constant 0 : i32
        %dma_wait3A_206 = tpu.memref_slice %arg4[%dma_wait3A_205] : memref<1000000xf32, #tpu.memory_space<hbm>> -> memref<1000000xf32, #tpu.memory_space<hbm>>
        tpu.wait_indirect_dma semaphore(%arg14 : memref<!tpu.dma_semaphore, #tpu.memory_space<semaphore_mem>>) src(%dma_wait3A_206 : memref<1000000xf32, #tpu.memory_space<hbm>>) dst(%dma_wait3A_201 : memref<128xf32, #tpu.memory_space<vmem>>)
        %while3A_207 = arith.constant 0 : i32
        scf.yield %while3A_207 : i32
      }
      %scan3A_189 = arith.constant 0 : i32
      scf.yield %scan3A_189 : i32
    }
    %scan3A_15 = arith.constant 5 : i32
    %broadcast_in_dim3A = arith.constant 0.000000e+00 : f32
    %broadcast_in_dim3A_16 = vector.broadcast %broadcast_in_dim3A : f32 to vector<16xf32>
    %scan3A_17 = arith.constant 0 : i32
    %scan3A_18 = arith.constant 200 : i32
    %scan3A_19 = arith.addi %scan3A_17, %scan3A_18 : i32
    %scan3A_20 = arith.constant 1 : i32
    %scan3A_21:16 = scf.for %scan3A_135 = %scan3A_17 to %scan3A_19 step %scan3A_20 iter_args(%scan3A_136 = %broadcast_in_dim3A_16, %scan3A_137 = %broadcast_in_dim3A_16, %scan3A_138 = %broadcast_in_dim3A_16, %scan3A_139 = %broadcast_in_dim3A_16, %scan3A_140 = %broadcast_in_dim3A_16, %scan3A_141 = %broadcast_in_dim3A_16, %scan3A_142 = %broadcast_in_dim3A_16, %scan3A_143 = %broadcast_in_dim3A_16, %scan3A_144 = %broadcast_in_dim3A_16, %scan3A_145 = %broadcast_in_dim3A_16, %scan3A_146 = %broadcast_in_dim3A_16, %scan3A_147 = %broadcast_in_dim3A_16, %scan3A_148 = %broadcast_in_dim3A_16, %scan3A_149 = %broadcast_in_dim3A_16, %scan3A_150 = %broadcast_in_dim3A_16, %scan3A_151 = %broadcast_in_dim3A_16) -> (vector<16xf32>, vector<16xf32>, vector<16xf32>, vector<16xf32>, vector<16xf32>, vector<16xf32>, vector<16xf32>, vector<16xf32>, vector<16xf32>, vector<16xf32>, vector<16xf32>, vector<16xf32>, vector<16xf32>, vector<16xf32>, vector<16xf32>, vector<16xf32>)  : i32 {
      %mul3A_152 = arith.constant 128 : i32
      %mul3A_153 = arith.muli %scan3A_135, %mul3A_152 : i32
      %add3A_154 = arith.constant 0 : i32
      %add3A_155 = arith.addi %mul3A_153, %add3A_154 : i32
      %get3A_156 = arith.index_cast %add3A_155 : i32 to index
      %get3A_157 = tpu.vector_load %arg8[%get3A_156] {strides = array<i32>} : memref<25600xf32, #tpu.memory_space<vmem>>, vector<16xf32>,
      %add3A_158 = arith.addf %scan3A_136, %get3A_157 : vector<16xf32>
      %get3A_159 = arith.index_cast %add3A_155 : i32 to index
      %get3A_160 = tpu.vector_load %arg9[%get3A_159] {strides = array<i32>} : memref<25600xf32, #tpu.memory_space<vmem>>, vector<16xf32>,
      %add3A_161 = arith.addf %scan3A_144, %get3A_160 : vector<16xf32>
      %mul3A_162 = arith.constant 128 : i32
      %mul3A_163 = arith.muli %scan3A_135, %mul3A_162 : i32
      %add3A_164 = arith.constant 16 : i32
      %add3A_165 = arith.addi %mul3A_163, %add3A_164 : i32
      %get3A_166 = arith.index_cast %add3A_165 : i32 to index
      %get3A_167 = tpu.vector_load %arg8[%get3A_166] {strides = array<i32>} : memref<25600xf32, #tpu.memory_space<vmem>>, vector<16xf32>,
      %add3A_168 = arith.addf %scan3A_137, %get3A_167 : vector<16xf32>
      %get3A_169 = arith.index_cast %add3A_165 : i32 to index
      %get3A_170 = tpu.vector_load %arg9[%get3A_169] {strides = array<i32>} : memref<25600xf32, #tpu.memory_space<vmem>>, vector<16xf32>,
      %add3A_171 = arith.addf %scan3A_145, %get3A_170 : vector<16xf32>
      %mul3A_172 = arith.constant 128 : i32
      %mul3A_173 = arith.muli %scan3A_135, %mul3A_172 : i32
      %add3A_174 = arith.constant 32 : i32
      %add3A_175 = arith.addi %mul3A_173, %add3A_174 : i32
      %get3A_176 = arith.index_cast %add3A_175 : i32 to index
      %get3A_177 = tpu.vector_load %arg8[%get3A_176] {strides = array<i32>} : memref<25600xf32, #tpu.memory_space<vmem>>, vector<16xf32>,
      %add3A_178 = arith.addf %scan3A_138, %get3A_177 : vector<16xf32>
      %get3A_179 = arith.index_cast %add3A_175 : i32 to index
      %get3A_180 = tpu.vector_load %arg9[%get3A_179] {strides = array<i32>} : memref<25600xf32, #tpu.memory_space<vmem>>, vector<16xf32>,
      %add3A_181 = arith.addf %scan3A_146, %get3A_180 : vector<16xf32>
      %mul3A_182 = arith.constant 128 : i32
      %mul3A_183 = arith.muli %scan3A_135, %mul3A_182 : i32
      %add3A_184 = arith.constant 48 : i32
      %add3A_185 = arith.addi %mul3A_183, %add3A_184 : i32
      %get3A_186 = arith.index_cast %add3A_185 : i32 to index
      %get3A_187 = tpu.vector_load %arg8[%get3A_186] {strides = array<i32>} : memref<25600xf32, #tpu.memory_space<vmem>>, vector<16xf32>,
      %add3A_188 = arith.addf %scan3A_139, %get3A_187 : vector<16xf32>
      %get3A_189 = arith.index_cast %add3A_185 : i32 to index
      %get3A_190 = tpu.vector_load %arg9[%get3A_189] {strides = array<i32>} : memref<25600xf32, #tpu.memory_space<vmem>>, vector<16xf32>,
      %add3A_191 = arith.addf %scan3A_147, %get3A_190 : vector<16xf32>
      %mul3A_192 = arith.constant 128 : i32
      %mul3A_193 = arith.muli %scan3A_135, %mul3A_192 : i32
      %add3A_194 = arith.constant 64 : i32
      %add3A_195 = arith.addi %mul3A_193, %add3A_194 : i32
      %get3A_196 = arith.index_cast %add3A_195 : i32 to index
      %get3A_197 = tpu.vector_load %arg8[%get3A_196] {strides = array<i32>} : memref<25600xf32, #tpu.memory_space<vmem>>, vector<16xf32>,
      %add3A_198 = arith.addf %scan3A_140, %get3A_197 : vector<16xf32>
      %get3A_199 = arith.index_cast %add3A_195 : i32 to index
      %get3A_200 = tpu.vector_load %arg9[%get3A_199] {strides = array<i32>} : memref<25600xf32, #tpu.memory_space<vmem>>, vector<16xf32>,
      %add3A_201 = arith.addf %scan3A_148, %get3A_200 : vector<16xf32>
      %mul3A_202 = arith.constant 128 : i32
      %mul3A_203 = arith.muli %scan3A_135, %mul3A_202 : i32
      %add3A_204 = arith.constant 80 : i32
      %add3A_205 = arith.addi %mul3A_203, %add3A_204 : i32
      %get3A_206 = arith.index_cast %add3A_205 : i32 to index
      %get3A_207 = tpu.vector_load %arg8[%get3A_206] {strides = array<i32>} : memref<25600xf32, #tpu.memory_space<vmem>>, vector<16xf32>,
      %add3A_208 = arith.addf %scan3A_141, %get3A_207 : vector<16xf32>
      %get3A_209 = arith.index_cast %add3A_205 : i32 to index
      %get3A_210 = tpu.vector_load %arg9[%get3A_209] {strides = array<i32>} : memref<25600xf32, #tpu.memory_space<vmem>>, vector<16xf32>,
      %add3A_211 = arith.addf %scan3A_149, %get3A_210 : vector<16xf32>
      %mul3A_212 = arith.constant 128 : i32
      %mul3A_213 = arith.muli %scan3A_135, %mul3A_212 : i32
      %add3A_214 = arith.constant 96 : i32
      %add3A_215 = arith.addi %mul3A_213, %add3A_214 : i32
      %get3A_216 = arith.index_cast %add3A_215 : i32 to index
      %get3A_217 = tpu.vector_load %arg8[%get3A_216] {strides = array<i32>} : memref<25600xf32, #tpu.memory_space<vmem>>, vector<16xf32>,
      %add3A_218 = arith.addf %scan3A_142, %get3A_217 : vector<16xf32>
      %get3A_219 = arith.index_cast %add3A_215 : i32 to index
      %get3A_220 = tpu.vector_load %arg9[%get3A_219] {strides = array<i32>} : memref<25600xf32, #tpu.memory_space<vmem>>, vector<16xf32>,
      %add3A_221 = arith.addf %scan3A_150, %get3A_220 : vector<16xf32>
      %mul3A_222 = arith.constant 128 : i32
      %mul3A_223 = arith.muli %scan3A_135, %mul3A_222 : i32
      %add3A_224 = arith.constant 112 : i32
      %add3A_225 = arith.addi %mul3A_223, %add3A_224 : i32
      %get3A_226 = arith.index_cast %add3A_225 : i32 to index
      %get3A_227 = tpu.vector_load %arg8[%get3A_226] {strides = array<i32>} : memref<25600xf32, #tpu.memory_space<vmem>>, vector<16xf32>,
      %add3A_228 = arith.addf %scan3A_143, %get3A_227 : vector<16xf32>
      %get3A_229 = arith.index_cast %add3A_225 : i32 to index
      %get3A_230 = tpu.vector_load %arg9[%get3A_229] {strides = array<i32>} : memref<25600xf32, #tpu.memory_space<vmem>>, vector<16xf32>,
      %add3A_231 = arith.addf %scan3A_151, %get3A_230 : vector<16xf32>
      scf.yield %add3A_158, %add3A_168, %add3A_178, %add3A_188, %add3A_198, %add3A_208, %add3A_218, %add3A_228, %add3A_161, %add3A_171, %add3A_181, %add3A_191, %add3A_201, %add3A_211, %add3A_221, %add3A_231 : vector<16xf32>, vector<16xf32>, vector<16xf32>, vector<16xf32>, vector<16xf32>, vector<16xf32>, vector<16xf32>, vector<16xf32>, vector<16xf32>, vector<16xf32>, vector<16xf32>, vector<16xf32>, vector<16xf32>, vector<16xf32>, vector<16xf32>, vector<16xf32>
    }
    %scan3A_22 = arith.constant 200 : i32
    %get3A = arith.constant 0 : i32
    %get3A_23 = arith.index_cast %get3A : i32 to index
    %get3A_24 = arith.constant 0 : index
    %get3A_25 = tpu.vector_load %arg10[%get3A_23, %get3A_24] {strides = array<i32>} : memref<2x16xf32, #tpu.memory_space<vmem>>, vector<16xf32>,
    %add3A_26 = arith.addf %scan3A_21#0, %get3A_25 : vector<16xf32>
    %swap3A = arith.constant 0 : index
    %swap3A_27 = tpu.vector_load %arg11[%swap3A] {strides = array<i32>} : memref<128xf32, #tpu.memory_space<vmem>>, vector<16xf32>,
    tpu.vector_store %arg11[%swap3A], %add3A_26 {strides = array<i32>} : memref<128xf32, #tpu.memory_space<vmem>>, vector<16xf32>,
    %get3A_28 = arith.constant 1 : i32
    %get3A_29 = arith.index_cast %get3A_28 : i32 to index
    %get3A_30 = arith.constant 0 : index
    %get3A_31 = tpu.vector_load %arg10[%get3A_29, %get3A_30] {strides = array<i32>} : memref<2x16xf32, #tpu.memory_space<vmem>>, vector<16xf32>,
    %add3A_32 = arith.addf %scan3A_21#8, %get3A_31 : vector<16xf32>
    %swap3A_33 = arith.constant 0 : index
    %swap3A_34 = tpu.vector_load %arg12[%swap3A_33] {strides = array<i32>} : memref<128xf32, #tpu.memory_space<vmem>>, vector<16xf32>,
    tpu.vector_store %arg12[%swap3A_33], %add3A_32 {strides = array<i32>} : memref<128xf32, #tpu.memory_space<vmem>>, vector<16xf32>,
    %get3A_35 = arith.constant 0 : i32
    %get3A_36 = arith.index_cast %get3A_35 : i32 to index
    %get3A_37 = arith.constant 0 : index
    %get3A_38 = tpu.vector_load %arg10[%get3A_36, %get3A_37] {strides = array<i32>} : memref<2x16xf32, #tpu.memory_space<vmem>>, vector<16xf32>,
    %add3A_39 = arith.addf %scan3A_21#1, %get3A_38 : vector<16xf32>
    %swap3A_40 = arith.constant 16 : index
    %swap3A_41 = tpu.vector_load %arg11[%swap3A_40] {strides = array<i32>} : memref<128xf32, #tpu.memory_space<vmem>>, vector<16xf32>,
    tpu.vector_store %arg11[%swap3A_40], %add3A_39 {strides = array<i32>} : memref<128xf32, #tpu.memory_space<vmem>>, vector<16xf32>,
    %get3A_42 = arith.constant 1 : i32
    %get3A_43 = arith.index_cast %get3A_42 : i32 to index
    %get3A_44 = arith.constant 0 : index
    %get3A_45 = tpu.vector_load %arg10[%get3A_43, %get3A_44] {strides = array<i32>} : memref<2x16xf32, #tpu.memory_space<vmem>>, vector<16xf32>,
    %add3A_46 = arith.addf %scan3A_21#9, %get3A_45 : vector<16xf32>
    %swap3A_47 = arith.constant 16 : index
    %swap3A_48 = tpu.vector_load %arg12[%swap3A_47] {strides = array<i32>} : memref<128xf32, #tpu.memory_space<vmem>>, vector<16xf32>,
    tpu.vector_store %arg12[%swap3A_47], %add3A_46 {strides = array<i32>} : memref<128xf32, #tpu.memory_space<vmem>>, vector<16xf32>,
    %get3A_49 = arith.constant 0 : i32
    %get3A_50 = arith.index_cast %get3A_49 : i32 to index
    %get3A_51 = arith.constant 0 : index
    %get3A_52 = tpu.vector_load %arg10[%get3A_50, %get3A_51] {strides = array<i32>} : memref<2x16xf32, #tpu.memory_space<vmem>>, vector<16xf32>,
    %add3A_53 = arith.addf %scan3A_21#2, %get3A_52 : vector<16xf32>
    %swap3A_54 = arith.constant 32 : index
    %swap3A_55 = tpu.vector_load %arg11[%swap3A_54] {strides = array<i32>} : memref<128xf32, #tpu.memory_space<vmem>>, vector<16xf32>,
    tpu.vector_store %arg11[%swap3A_54], %add3A_53 {strides = array<i32>} : memref<128xf32, #tpu.memory_space<vmem>>, vector<16xf32>,
    %get3A_56 = arith.constant 1 : i32
    %get3A_57 = arith.index_cast %get3A_56 : i32 to index
    %get3A_58 = arith.constant 0 : index
    %get3A_59 = tpu.vector_load %arg10[%get3A_57, %get3A_58] {strides = array<i32>} : memref<2x16xf32, #tpu.memory_space<vmem>>, vector<16xf32>,
    %add3A_60 = arith.addf %scan3A_21#10, %get3A_59 : vector<16xf32>
    %swap3A_61 = arith.constant 32 : index
    %swap3A_62 = tpu.vector_load %arg12[%swap3A_61] {strides = array<i32>} : memref<128xf32, #tpu.memory_space<vmem>>, vector<16xf32>,
    tpu.vector_store %arg12[%swap3A_61], %add3A_60 {strides = array<i32>} : memref<128xf32, #tpu.memory_space<vmem>>, vector<16xf32>,
    %get3A_63 = arith.constant 0 : i32
    %get3A_64 = arith.index_cast %get3A_63 : i32 to index
    %get3A_65 = arith.constant 0 : index
    %get3A_66 = tpu.vector_load %arg10[%get3A_64, %get3A_65] {strides = array<i32>} : memref<2x16xf32, #tpu.memory_space<vmem>>, vector<16xf32>,
    %add3A_67 = arith.addf %scan3A_21#3, %get3A_66 : vector<16xf32>
    %swap3A_68 = arith.constant 48 : index
    %swap3A_69 = tpu.vector_load %arg11[%swap3A_68] {strides = array<i32>} : memref<128xf32, #tpu.memory_space<vmem>>, vector<16xf32>,
    tpu.vector_store %arg11[%swap3A_68], %add3A_67 {strides = array<i32>} : memref<128xf32, #tpu.memory_space<vmem>>, vector<16xf32>,
    %get3A_70 = arith.constant 1 : i32
    %get3A_71 = arith.index_cast %get3A_70 : i32 to index
    %get3A_72 = arith.constant 0 : index
    %get3A_73 = tpu.vector_load %arg10[%get3A_71, %get3A_72] {strides = array<i32>} : memref<2x16xf32, #tpu.memory_space<vmem>>, vector<16xf32>,
    %add3A_74 = arith.addf %scan3A_21#11, %get3A_73 : vector<16xf32>
    %swap3A_75 = arith.constant 48 : index
    %swap3A_76 = tpu.vector_load %arg12[%swap3A_75] {strides = array<i32>} : memref<128xf32, #tpu.memory_space<vmem>>, vector<16xf32>,
    tpu.vector_store %arg12[%swap3A_75], %add3A_74 {strides = array<i32>} : memref<128xf32, #tpu.memory_space<vmem>>, vector<16xf32>,
    %get3A_77 = arith.constant 0 : i32
    %get3A_78 = arith.index_cast %get3A_77 : i32 to index
    %get3A_79 = arith.constant 0 : index
    %get3A_80 = tpu.vector_load %arg10[%get3A_78, %get3A_79] {strides = array<i32>} : memref<2x16xf32, #tpu.memory_space<vmem>>, vector<16xf32>,
    %add3A_81 = arith.addf %scan3A_21#4, %get3A_80 : vector<16xf32>
    %swap3A_82 = arith.constant 64 : index
    %swap3A_83 = tpu.vector_load %arg11[%swap3A_82] {strides = array<i32>} : memref<128xf32, #tpu.memory_space<vmem>>, vector<16xf32>,
    tpu.vector_store %arg11[%swap3A_82], %add3A_81 {strides = array<i32>} : memref<128xf32, #tpu.memory_space<vmem>>, vector<16xf32>,
    %get3A_84 = arith.constant 1 : i32
    %get3A_85 = arith.index_cast %get3A_84 : i32 to index
    %get3A_86 = arith.constant 0 : index
    %get3A_87 = tpu.vector_load %arg10[%get3A_85, %get3A_86] {strides = array<i32>} : memref<2x16xf32, #tpu.memory_space<vmem>>, vector<16xf32>,
    %add3A_88 = arith.addf %scan3A_21#12, %get3A_87 : vector<16xf32>
    %swap3A_89 = arith.constant 64 : index
    %swap3A_90 = tpu.vector_load %arg12[%swap3A_89] {strides = array<i32>} : memref<128xf32, #tpu.memory_space<vmem>>, vector<16xf32>,
    tpu.vector_store %arg12[%swap3A_89], %add3A_88 {strides = array<i32>} : memref<128xf32, #tpu.memory_space<vmem>>, vector<16xf32>,
    %get3A_91 = arith.constant 0 : i32
    %get3A_92 = arith.index_cast %get3A_91 : i32 to index
    %get3A_93 = arith.constant 0 : index
    %get3A_94 = tpu.vector_load %arg10[%get3A_92, %get3A_93] {strides = array<i32>} : memref<2x16xf32, #tpu.memory_space<vmem>>, vector<16xf32>,
    %add3A_95 = arith.addf %scan3A_21#5, %get3A_94 : vector<16xf32>
    %swap3A_96 = arith.constant 80 : index
    %swap3A_97 = tpu.vector_load %arg11[%swap3A_96] {strides = array<i32>} : memref<128xf32, #tpu.memory_space<vmem>>, vector<16xf32>,
    tpu.vector_store %arg11[%swap3A_96], %add3A_95 {strides = array<i32>} : memref<128xf32, #tpu.memory_space<vmem>>, vector<16xf32>,
    %get3A_98 = arith.constant 1 : i32
    %get3A_99 = arith.index_cast %get3A_98 : i32 to index
    %get3A_100 = arith.constant 0 : index
    %get3A_101 = tpu.vector_load %arg10[%get3A_99, %get3A_100] {strides = array<i32>} : memref<2x16xf32, #tpu.memory_space<vmem>>, vector<16xf32>,
    %add3A_102 = arith.addf %scan3A_21#13, %get3A_101 : vector<16xf32>
    %swap3A_103 = arith.constant 80 : index
    %swap3A_104 = tpu.vector_load %arg12[%swap3A_103] {strides = array<i32>} : memref<128xf32, #tpu.memory_space<vmem>>, vector<16xf32>,
    tpu.vector_store %arg12[%swap3A_103], %add3A_102 {strides = array<i32>} : memref<128xf32, #tpu.memory_space<vmem>>, vector<16xf32>,
    %get3A_105 = arith.constant 0 : i32
    %get3A_106 = arith.index_cast %get3A_105 : i32 to index
    %get3A_107 = arith.constant 0 : index
    %get3A_108 = tpu.vector_load %arg10[%get3A_106, %get3A_107] {strides = array<i32>} : memref<2x16xf32, #tpu.memory_space<vmem>>, vector<16xf32>,
    %add3A_109 = arith.addf %scan3A_21#6, %get3A_108 : vector<16xf32>
    %swap3A_110 = arith.constant 96 : index
    %swap3A_111 = tpu.vector_load %arg11[%swap3A_110] {strides = array<i32>} : memref<128xf32, #tpu.memory_space<vmem>>, vector<16xf32>,
    tpu.vector_store %arg11[%swap3A_110], %add3A_109 {strides = array<i32>} : memref<128xf32, #tpu.memory_space<vmem>>, vector<16xf32>,
    %get3A_112 = arith.constant 1 : i32
    %get3A_113 = arith.index_cast %get3A_112 : i32 to index
    %get3A_114 = arith.constant 0 : index
    %get3A_115 = tpu.vector_load %arg10[%get3A_113, %get3A_114] {strides = array<i32>} : memref<2x16xf32, #tpu.memory_space<vmem>>, vector<16xf32>,
    %add3A_116 = arith.addf %scan3A_21#14, %get3A_115 : vector<16xf32>
    %swap3A_117 = arith.constant 96 : index
    %swap3A_118 = tpu.vector_load %arg12[%swap3A_117] {strides = array<i32>} : memref<128xf32, #tpu.memory_space<vmem>>, vector<16xf32>,
    tpu.vector_store %arg12[%swap3A_117], %add3A_116 {strides = array<i32>} : memref<128xf32, #tpu.memory_space<vmem>>, vector<16xf32>,
    %get3A_119 = arith.constant 0 : i32
    %get3A_120 = arith.index_cast %get3A_119 : i32 to index
    %get3A_121 = arith.constant 0 : index
    %get3A_122 = tpu.vector_load %arg10[%get3A_120, %get3A_121] {strides = array<i32>} : memref<2x16xf32, #tpu.memory_space<vmem>>, vector<16xf32>,
    %add3A_123 = arith.addf %scan3A_21#7, %get3A_122 : vector<16xf32>
    %swap3A_124 = arith.constant 112 : index
    %swap3A_125 = tpu.vector_load %arg11[%swap3A_124] {strides = array<i32>} : memref<128xf32, #tpu.memory_space<vmem>>, vector<16xf32>,
    tpu.vector_store %arg11[%swap3A_124], %add3A_123 {strides = array<i32>} : memref<128xf32, #tpu.memory_space<vmem>>, vector<16xf32>,
    %get3A_126 = arith.constant 1 : i32
    %get3A_127 = arith.index_cast %get3A_126 : i32 to index
    %get3A_128 = arith.constant 0 : index
    %get3A_129 = tpu.vector_load %arg10[%get3A_127, %get3A_128] {strides = array<i32>} : memref<2x16xf32, #tpu.memory_space<vmem>>, vector<16xf32>,
    %add3A_130 = arith.addf %scan3A_21#15, %get3A_129 : vector<16xf32>
    %swap3A_131 = arith.constant 112 : index
    %swap3A_132 = tpu.vector_load %arg12[%swap3A_131] {strides = array<i32>} : memref<128xf32, #tpu.memory_space<vmem>>, vector<16xf32>,
    tpu.vector_store %arg12[%swap3A_131], %add3A_130 {strides = array<i32>} : memref<128xf32, #tpu.memory_space<vmem>>, vector<16xf32>,
    "tpu.region"() ({
      %run_scoped3A = tpu.sem_alloc : memref<!tpu.dma_semaphore, #tpu.memory_space<semaphore_mem>>
      %dma_start3A = tpu.memref_slice %arg6[%mul3A_2] : memref<8192xf32, #tpu.memory_space<hbm>> -> memref<128xf32, #tpu.memory_space<hbm>>
      %dma_start3A_135 = tpu.memref_slice %arg6[%mul3A_2] : memref<8192xf32, #tpu.memory_space<hbm>> -> memref<128xf32, #tpu.memory_space<hbm>>
      tpu.enqueue_dma source(%arg11 : memref<128xf32, #tpu.memory_space<vmem>>) target(%dma_start3A_135 : memref<128xf32, #tpu.memory_space<hbm>>) target_semaphore(%run_scoped3A : memref<!tpu.dma_semaphore, #tpu.memory_space<semaphore_mem>>)
      %dma_wait3A = tpu.memref_slice %arg6[%mul3A_2] : memref<8192xf32, #tpu.memory_space<hbm>> -> memref<128xf32, #tpu.memory_space<hbm>>
      %dma_wait3A_136 = tpu.memref_slice %arg6[%mul3A_2] : memref<8192xf32, #tpu.memory_space<hbm>> -> memref<128xf32, #tpu.memory_space<hbm>>
      tpu.wait_dma2 semaphore(%run_scoped3A : memref<!tpu.dma_semaphore, #tpu.memory_space<semaphore_mem>>) src(%arg11 : memref<128xf32, #tpu.memory_space<vmem>>) dst(%dma_wait3A_136 : memref<128xf32, #tpu.memory_space<hbm>>)
      tpu.yield
    }) : () -> ()
    %add3A_133 = arith.constant 4096 : i32
    %add3A_134 = arith.addi %add3A_133, %mul3A_2 : i32
    "tpu.region"() ({
      %run_scoped3A = tpu.sem_alloc : memref<!tpu.dma_semaphore, #tpu.memory_space<semaphore_mem>>
      %dma_start3A = tpu.memref_slice %arg6[%add3A_134] : memref<8192xf32, #tpu.memory_space<hbm>> -> memref<128xf32, #tpu.memory_space<hbm>>
      %dma_start3A_135 = tpu.memref_slice %arg6[%add3A_134] : memref<8192xf32, #tpu.memory_space<hbm>> -> memref<128xf32, #tpu.memory_space<hbm>>
      tpu.enqueue_dma source(%arg12 : memref<128xf32, #tpu.memory_space<vmem>>) target(%dma_start3A_135 : memref<128xf32, #tpu.memory_space<hbm>>) target_semaphore(%run_scoped3A : memref<!tpu.dma_semaphore, #tpu.memory_space<semaphore_mem>>)
      %dma_wait3A = tpu.memref_slice %arg6[%add3A_134] : memref<8192xf32, #tpu.memory_space<hbm>> -> memref<128xf32, #tpu.memory_space<hbm>>
      %dma_wait3A_136 = tpu.memref_slice %arg6[%add3A_134] : memref<8192xf32, #tpu.memory_space<hbm>> -> memref<128xf32, #tpu.memory_space<hbm>>
      tpu.wait_dma2 semaphore(%run_scoped3A : memref<!tpu.dma_semaphore, #tpu.memory_space<semaphore_mem>>) src(%arg12 : memref<128xf32, #tpu.memory_space<vmem>>) dst(%dma_wait3A_136 : memref<128xf32, #tpu.memory_space<hbm>>)
      tpu.yield
    }) : () -> ()
    return
  }
}

module attributes {stable_mosaic.version = 14 : i64} {
  func.func @_proj_body(%arg0: i32, %arg1: memref<8x64xf32, #tpu.memory_space<vmem>>, %arg2: memref<64x32768xf32, #tpu.memory_space<vmem>>, %arg3: memref<32768xf32, #tpu.memory_space<vmem>>, %arg4: memref<32768xf32, #tpu.memory_space<vmem>>) attributes {dimension_semantics = [#tpu.dimension_semantics<arbitrary>], iteration_bounds = array<i64: 31>, scalar_prefetch = 0 : i64, scratch_operands = 0 : i64, tpu.core_type = #tpu.core_type<tc>, window_params = [{pipeline_mode = #tpu.pipeline_mode<synchronous>, transform_indices = @transform_0, window_bounds = array<i64: 8, 64>}, {transform_indices = @transform_1, window_bounds = array<i64: 64, 32768>}, {transform_indices = @transform_2, window_bounds = array<i64: 32768>}, {transform_indices = @transform_3, window_bounds = array<i64: 32768>}]} {
    %get3A = arith.constant 0 : index
    %get3A_0 = arith.constant 0 : index
    %get3A_1 = vector.load %arg1[%get3A, %get3A_0] : memref<8x64xf32, #tpu.memory_space<vmem>>, vector<8x64xf32>
    %get3A_2 = arith.constant 0 : index
    %get3A_3 = arith.constant 0 : index
    %get3A_4 = vector.load %arg2[%get3A_2, %get3A_3] : memref<64x32768xf32, #tpu.memory_space<vmem>>, vector<64x32768xf32>
    %dot_general3A = arith.constant dense<0.000000e+00> : vector<8x32768xf32>
    %dot_general3A_5 = tpu.matmul %get3A_1, %get3A_4, %dot_general3A {dimension_numbers = #tpu.dot_dimension_numbers<[1], [0], [0], [1], [0, 0, 1, 1], [], []>, transpose_lhs_hint = false} : vector<8x64xf32>, vector<64x32768xf32>, vector<8x32768xf32> -> vector<8x32768xf32>
    %slice3A = vector.extract_strided_slice %dot_general3A_5 {offsets = [0, 0], sizes = [1, 32768], strides = [1, 1]} : vector<8x32768xf32> to vector<1x32768xf32>
    %squeeze3A = vector.shape_cast %slice3A : vector<1x32768xf32> to vector<32768xf32>
    %swap3A = arith.constant 0 : index
    %swap3A_6 = vector.load %arg3[%swap3A] : memref<32768xf32, #tpu.memory_space<vmem>>, vector<32768xf32>
    tpu.vector_store %arg3[%swap3A], %squeeze3A {strides = array<i32>} : memref<32768xf32, #tpu.memory_space<vmem>>, vector<32768xf32>,
    %slice3A_7 = vector.extract_strided_slice %dot_general3A_5 {offsets = [1, 0], sizes = [1, 32768], strides = [1, 1]} : vector<8x32768xf32> to vector<1x32768xf32>
    %squeeze3A_8 = vector.shape_cast %slice3A_7 : vector<1x32768xf32> to vector<32768xf32>
    %swap3A_9 = arith.constant 0 : index
    %swap3A_10 = vector.load %arg4[%swap3A_9] : memref<32768xf32, #tpu.memory_space<vmem>>, vector<32768xf32>
    tpu.vector_store %arg4[%swap3A_9], %squeeze3A_8 {strides = array<i32>} : memref<32768xf32, #tpu.memory_space<vmem>>, vector<32768xf32>,
    return
  }
  func.func @transform_0(%arg0: i32) -> (i32, i32) {
    %c0_i32 = arith.constant 0 : i32
    %c0_i32_0 = arith.constant 0 : i32
    %c0_i32_1 = arith.constant 0 : i32
    return %c0_i32, %c0_i32_0 : i32, i32
  }
  func.func @transform_1(%arg0: i32) -> (i32, i32) {
    %c0_i32 = arith.constant 0 : i32
    %c0_i32_0 = arith.constant 0 : i32
    return %c0_i32, %arg0 : i32, i32
  }
  func.func @transform_2(%arg0: i32) -> i32 {
    %c0_i32 = arith.constant 0 : i32
    return %arg0 : i32
  }
  func.func @transform_3(%arg0: i32) -> i32 {
    %c0_i32 = arith.constant 0 : i32
    return %arg0 : i32
  }
}

</mosaic_0001>

<sc_bundles>
// kernel: kernel.4.cloned.1.call-start
scs
__scs_entry_jumppad:
0x0: {  	(pc) =	sbr.rel $0x88, $3  }
0x1: {  	(tag) =	ssettag $0x0;
	lr =	simm.s32 $0x1  }
0x2: {  	[smem:$0x3F9D] =	sst lr;
	_ =	strace $0xD0000000  }
0x3: {  	_ = 	snop  }
0x4: {  	_ = 	snop  }
0x5: {  	_ = 	snop  }
0x6: {  	_ = 	snop  }
0x7: {  	_ = 	snop  }
__scs_overlays_trampoline_lowered:
0x8: {  	[smem:$0x3FAC] =	sst s0  }
0x9: {  	[smem:$0x3FAD] =	sst s1  }
0xa: {  	[smem:$0x3FAE] =	sst s2  }
0xb: {  	[smem:$0x3FAF] =	sst s3  }
0xc: {  	[smem:$0x3FB0] =	sst s4  }
0xd: {  	[smem:$0x3FB1] =	sst s5  }
0xe: {  	[smem:$0x3FB2] =	sst s6  }
0xf: {  	[smem:$0x3FB3] =	sst s7  }
0x10: {  	[smem:$0x3FB4] =	sst s8  }
0x11: {  	[smem:$0x3FB5] =	sst s9;
	s0 =	simm.s32 @!p0 $0x0  }
0x12: {  	s1 =	sld [smem:$0x3F9B];
	s0 =	simm.s32 @p0 $0x1  }
0x13: {  	[smem:$0x3FB6] =	sst s0;
	s0 =	simm.s32 @!p1 $0x0  }
0x14: {  	s2 =	sld [smem:$0x3F9A];
	s0 =	simm.s32 @p1 $0x1  }
0x15: {  	[smem:$0x3FB7] =	sst s0;
	s0 =	simm.s32 @!p2 $0x0  }
0x16: {  	s3 =	sld [smem:$0x3FDB];
	s0 =	simm.s32 @p2 $0x1  }
0x17: {  	s4 =	simm.s32 $0x1BF5;
	[smem:$0x3FB9] =	sst s0  }
0x18: {  	s0 =	sld [smem:$0x3F9C];
	_ =	swait.ge [sflag:s4], $0x0  }
0x19: {  	s7 =	sld [smem:$0x3F9D]  }
0x1a: {  	s8 =	sadd.s32 $0xFFFFE003, lr  }
0x1b: {  	s9 =	sadd.s32 $0xFFFFFEF7, lr;
	s5 =	simm.s32 $0xFFFFFFFF;
	p2 =	slt.u32 s8, $0xFFFFF086  }
0x1c: {  	p1 =	slt.u32 s9, $0xF7A;
	s5 =	simm.s32 @!p2 $0x0  }
0x1d: {  	s5 =	simm.s32 @p1 $0x1;
	p0 =	seq.s32 s7, s2  }
0x1e: {  	s7 =	smul.u32 @!p0 $0xF7A, s2;
	p2 =	seq.s32 @!p0 s5, $0x0  }
0x1f: {  	s9 =	smul.u32 $0xF7A, s1;
	s8 =	simm.s32 @!p0 $0x1BF5;
	p2 =	por !p2, p0  }
0x20: {  	[sflag:s8] =	ssyncset.s32 @!p0 $0xFFFFF086;
	s6 =	sadd.s32 @!p0 s3, s7;
	s7 =	simm.s32 @!p0 $0x108  }
0x21: {  	s3 =	sadd.s32 s3, s9;
	s6 =	sadd.s32 @!p0 $0x88, s6;
	s7 =	simm.s32 @p2 $0x1082  }
0x22: {  	[simem:s7], [sflag:s8] =	dma.local @!p0 [hbm:s6], $0xF7A  }
0x23: {  	s9 =	sor.u32 $0xD0000000, s2;
	s6 =	simm.s32 $0x108;
	_ =	swait.ge @!p0 [sflag:s8], $0x0  }
0x24: {  	s3 =	sadd.s32 $0x88, s3;
	s6 =	simm.s32 @!p1 $0x1082;
	[sflag:s4] =	ssyncset.s32 $0xFFFFF086  }
0x25: {  	[simem:s6], [sflag:s4] =	dma.local [hbm:s3], $0xF7A  }
0x26: {  	[smem:$0x3F9D] =	sst s1;
	(tag) =	ssettag s2;
	_ =	strace s9  }
0x27: {  	s1 =	sld [smem:$0x3FAD]  }
0x28: {  	s2 =	sld [smem:$0x3FAE]  }
0x29: {  	s4 =	sld [smem:$0x3FB0]  }
0x2a: {  	p0 =	seq.s32 s5, $0x0;
	s5 =	sld [smem:$0x3FB1]  }
0x2b: {  	s6 =	sld [smem:$0x3FB2]  }
0x2c: {  	s7 =	sld [smem:$0x3FB3]  }
0x2d: {  	s3 =	simm.s32 $0x108;
	s8 =	sld [smem:$0x3FB4]  }
0x2e: {  	s3 =	simm.s32 @!p0 $0x1082;
	s9 =	sld [smem:$0x3FB5]  }
0x2f: {  	lr =	sadd.s32 s0, s3;
	s0 =	sld [smem:$0x3FAC]  }
0x30: {  	s3 =	sld [smem:$0x3FAF]  }
0x31: {  	[smem:$0x3FB8] =	sst s10  }
0x32: {  	s10 =	sld [smem:$0x3FB6];
	_ =	sdelay $0x3  }
0x33: {  	p0 =	seq.s32 s10, $0x1;
	s10 =	sld [smem:$0x3FB8];
	_ =	sdelay $0x3  }
0x34: {  	[smem:$0x3FB8] =	sst s10  }
0x35: {  	s10 =	sld [smem:$0x3FB7];
	_ =	sdelay $0x3  }
0x36: {  	p1 =	seq.s32 s10, $0x1;
	s10 =	sld [smem:$0x3FB8];
	_ =	sdelay $0x3  }
0x37: {  	[smem:$0x3FB8] =	sst s10  }
0x38: {  	s10 =	sld [smem:$0x3FB9]  }
0x39: {  	_ = 	snop;
	(pc) =	sbr.ind lr, $3  }
0x3a: {  	_ = 	snop  }
0x3b: {  	_ = 	snop  }
0x3c: {  	p2 =	seq.s32 s10, $0x1;
	s10 =	sld [smem:$0x3FB8]  }
0x3d: {  	_ =	shalt  }
0x3e: {  	_ =	shalt  }
0x3f: {  	_ =	shalt  }
0x40: {  	_ =	shalt  }
0x41: {  	_ =	shalt  }
0x42: {  	_ =	shalt  }
0x43: {  	_ =	shalt  }
0x44: {  	_ =	shalt  }
0x45: {  	_ =	shalt  }
0x46: {  	_ =	shalt  }
0x47: {  	_ =	shalt  }
0x48: {  	_ =	shalt  }
0x49: {  	_ =	shalt  }
0x4a: {  	_ =	shalt  }
0x4b: {  	_ =	shalt  }
0x4c: {  	_ =	shalt  }
0x4d: {  	_ =	shalt  }
0x4e: {  	_ =	shalt  }
0x4f: {  	_ =	shalt  }
0x50: {  	_ =	shalt  }
0x51: {  	_ =	shalt  }
0x52: {  	_ =	shalt  }
0x53: {  	_ =	shalt  }
0x54: {  	_ =	shalt  }
0x55: {  	_ =	shalt  }
0x56: {  	_ =	shalt  }
0x57: {  	_ =	shalt  }
0x58: {  	_ =	shalt  }
0x59: {  	_ =	shalt  }
0x5a: {  	_ =	shalt  }
0x5b: {  	_ =	shalt  }
0x5c: {  	_ =	shalt  }
0x5d: {  	_ =	shalt  }
0x5e: {  	_ =	shalt  }
0x5f: {  	_ =	shalt  }
0x60: {  	_ =	shalt  }
0x61: {  	_ =	shalt  }
0x62: {  	_ =	shalt  }
0x63: {  	_ =	shalt  }
0x64: {  	_ =	shalt  }
0x65: {  	_ =	shalt  }
0x66: {  	_ =	shalt  }
0x67: {  	_ =	shalt  }
0x68: {  	_ =	shalt  }
0x69: {  	_ =	shalt  }
0x6a: {  	_ =	shalt  }
0x6b: {  	_ =	shalt  }
0x6c: {  	_ =	shalt  }
0x6d: {  	_ =	shalt  }
0x6e: {  	_ =	shalt  }
0x6f: {  	_ =	shalt  }
0x70: {  	_ =	shalt  }
0x71: {  	_ =	shalt  }
0x72: {  	_ =	shalt  }
0x73: {  	_ =	shalt  }
0x74: {  	_ =	shalt  }
0x75: {  	_ =	shalt  }
0x76: {  	_ =	shalt  }
0x77: {  	_ =	shalt  }
0x78: {  	_ =	shalt  }
0x79: {  	_ =	shalt  }
0x7a: {  	_ =	shalt  }
0x7b: {  	_ =	shalt  }
0x7c: {  	_ =	shalt  }
0x7d: {  	_ =	shalt  }
0x7e: {  	_ =	shalt  }
0x7f: {  	_ =	shalt  }
0x80: {  	_ =	shalt  }
0x81: {  	_ =	shalt  }
0x82: {  	_ =	shalt  }
0x83: {  	_ =	shalt  }
0x84: {  	_ =	shalt  }
0x85: {  	_ =	shalt  }
0x86: {  	_ =	shalt  }
0x87: {  	_ =	shalt  }
.Lfunc_end0:
.L_simem_size_0:
called_computation_lowered:
.L_overlay_start_0:
0x88: {  	s2 =	sld [smem:$0x3FD9]  }
0x89: {  	s3 =	sld [smem:$0x3FFE];
	_ =	sdelay $0x1  }
0x8a: {  	s1 =	srdreg.scid  }
0x8b: {  	s0 =	sand.u32 $0x1, s1  }
0x8c: {  	s17 =	sshll.u32 s0, $0xA;
	s2 =	sadd.s32 s3, s2  }
0x8d: {  	s2 =	sadd.s32 s2, s17  }
0x8e: {  	[smem:$0x3FC4] =	sst s2  }
0x8f: {  	_ = 	snop  }
0x90: {  	s2 =	sld [smem:$0x3FD0];
	(tm) =	ssettm $0x1  }
0x91: {  	s18 =	sld [smem:$0x3FFB];
	_ =	sdelay $0x3  }
0x92: {  	_ =	strace s18  }
0x93: {  	s3 =	sld [smem:$0x3FFC];
	_ =	sdelay $0x3  }
0x94: {  	_ =	strace s3  }
0x95: {  	s3 =	sld [smem:$0x3FFD];
	_ =	sdelay $0x3  }
0x96: {  	_ =	strace s3  }
0x97: {  	_ =	strace $0x8FFFFFFF  }
0x98: {  	s19 =	sld [smem:$0x3FDB];
	_ =	sdelay $0x1  }
0x99: {  	s4 =	simm.s32 $_scs_section_size  }
0x9a: {  	s5 =	simm.s32 $_size__tile_overlayer_lowered;
	s6 =	simm.s32 $_tile_overlayer_lowered  }
0x9b: {  	s22 =	simm.s32 $0x1BFF;
	s21 =	sshll.u32 s6, $0x1;
	s3 =	sadd.s32 s4, s19  }
0x9c: {  	s7 =	simm.s32 $0x0;
	s20 =	sshll.u32 s5, $0x1;
	s5 =	sadd.s32 s21, s3  }
0x9d: {  	[timem:s7], [sflag:s22] =	dma.local [hbm:s5], s20  }
0x9e: {  	_ =	swait.ge [sflag:s22], s20  }
0x9f: {  	s4 =	ssub.s32 $0x0, s20;
	[sflag:s22] =	ssyncset.done $0x0  }
0xa0: {  	[sflag:s22] =	ssyncadd.s32 s4;
	_ =	sdelay $0x1  }
0xa1: {  	s23 =	simm.s32 $0x1B8B  }
0xa2: {  	_ =	swait.ge [sflag:s23], $0x1  }
0xa3: {  	[sflag:s23] =	ssyncset.done $0x0  }
0xa4: {  	s25 =	simm.s32 $0x1B8E;
	s24 =	sld [smem:$0x3FFE];
	[sflag:s23] =	ssyncadd.s32 $0xFFFFFFFF  }
0xa5: {  	s26 =	simm.s32 $execute0_lowered;
	[smem:$0x3FD2] =	sst s25  }
0xa6: {  	s5 =	sshll.u32 s26, $0x1;
	_ =	strace $0x80000046;
	[dreg:$0x1] =	wrdreg $0xFFFFFFFF  }
0xa7: {  	s28 =	simm.s32 $_size_execute0_lowered;
	s3 =	sadd.s32 s3, s5;
	[dreg:$0x0] =	wrdreg $0x0  }
0xa8: {  	s5 =	sshll.u32 s28, $0x1;
	[dreg:$0x2] =	wrdreg s3  }
0xa9: {  	[dreg:$0x3] =	wrdreg s5  }
0xaa: {  	[dreg:$0x4] =	wrdreg $0xC0  }
0xab: {  	_ =	task [dreg:s7], $0x5FFFF  }
0xac: {  	[dreg:$0x1] =	wrdreg $0xFFFFFFFF  }
0xad: {  	[dreg:$0x0] =	wrdreg $0x60  }
0xae: {  	[dreg:$0x2] =	wrdreg s24  }
0xaf: {  	[dreg:$0x3] =	wrdreg s2  }
0xb0: {  	[dreg:$0x4] =	wrdreg $0x9  }
0xb1: {  	_ =	task.clear_ibuf [dreg:s7], $0x5FFFF;
	_ =	strace $0x90000046  }
0xb2: {  	s29 =	simm.s32 $0x9;
	_ =	strace $0x80000048  }
0xb3: {  	_ =	swait.ge [sflag:s29], $0x1  }
0xb4: {  	[sflag:s29] =	ssyncadd.s32 $0xFFFFFFFF  }
0xb5: {  	_ =	strace $0x90000048  }
0xb6: {  	_ =	sfence  }
0xb7: {  	s30 =	sld [smem:$0x0];
	_ =	sdelay $0x2  }
0xb8: {  	s31 =	sshll.u32 s1, $0xD;
	s1 =	sshrl.u32 s1, $0x2  }
0xb9: {  	s3 =	sand.u32 $0x4000, s31;
	s1 =	sadd.s32 s1, s30  }
0xba: {  	s0 =	sor.u32 s3, s0;
	s1 =	sshll.u32 s1, $0x11  }
0xbb: {  	s0 =	sor.u32 s1, s0  }
0xbc: {  	s0 =	sadd.s32 $0x8F2B, s0  }
0xbd: {  	[sflag:s0] =	ssyncadd.remote.s32 $0x1  }
0xbe: {  	_ =	sfence.sel $0xFFFF  }
0xbf: {  	[dreg:$0x0] =	wrdreg $0xFFFFFFFF;
	(pc) =	sbr.abs _section_cstart, $3  }
0xc0: {  	[dreg:$0x1] =	wrdreg $0xFFFFFFFF  }
0xc1: {  	_ =	task.clear_ibuf [dreg:s7], $0x2FFFF;
	_ =	strace $0x9FFFFFFF  }
0xc2: {  	(tm) =	ssettm $0x7FFFFFFF  }
0xc3: {  	_ =	shalt  }
tec
execute0_lowered:
.L_overlay_start_1:
0x0: {  	(tag) =	ssettag $0x1  }
0x1: {  	s0 =	rddreg [dreg:$0x0];
	s3 =	simm.s32 $0x0  }
0x2: {  	s1 =	srdreg.scid;
	s2 =	stileid.u32;
	s10 =	simm.s32 $0x80  }
0x3: {  	s12 =	simm.s32 $0x3;
	s21 =	simm.s32 $0x180;
	s28 =	simm.s32 $0x280  }
0x4: {  	s31 =	simm.s32 $0x300;
	s14 =	simm.s32 $0x400;
	s17 =	simm.s32 $0x480  }
0x5: {  	s22 =	simm.s32 $0x500;
	s13 =	simm.s32 $0x680;
	s19 =	simm.s32 $0x700  }
0x6: {  	s16 =	simm.s32 $0x880;
	s29 =	simm.s32 $0x900;
	s15 =	simm.s32 $0x980  }
0x7: {  	s30 =	simm.s32 $0x1;
	s11 =	simm.s32 $0x2;
	s20 =	simm.s32 $0x0  }
0x8: {  	[smem:$0x7FF] =	sst s3;
	s1 =	sand.u32 $0x1, s1;
	s2 =	sshll.u32 s2, $0x5  }
0x9: {  	s4 =	sadd.s32 $0x19A00, s0;
	s5 =	sshll.u32 s1, $0x4;
	s1 =	ssub.s32 $0x2, s1  }
0xa: {  	_ =	strace $0x80000047;
	s2 =	sor.u32 s5, s2;
	s24 =	sshrl.u32 s1, $0x1  }
0xb: {  	s5 =	sadd.s32 $0x38400, s0;
	s0 =	sadd.s32 s2, s0;
	s1 =	ssub.s32 s1, s24  }
0xc: {  	s24 =	simm.s32 $0x200;
	s2 =	simm.s32 $0x800;
	s25 =	sadd.s32 $0xA00, s0  }
0xd: {  	s26 =	sadd.s32 $0x56E00, s0;
	s8 =	sadd.s32 $0x57000, s0;
	s9 =	smax.u32 s1, $0x1  }
0xe: {  	s1 =	simm.s32 $0x380;
	s0 =	simm.s32 $0x600;
	[dreg:$0x3] =	wrdreg s25  }
0xf: {  	[dreg:$0x4] =	wrdreg s26;
	s26 =	simm.s32 $0x580;
	s25 =	simm.s32 $0x780  }
.LBB2_1:
0x10: {  	s6 =	rddreg [dreg:$0x3];
	s7 =	simm.s32 $0x1000  }
0x11: {  	[tilespmem:s3], [sflag:$0x3] =	stream.strided.gather [hbm4b:s6+s10], $0x6400, s7, s10, $0x38;
	[tilespmem:$0x12D20] =	vst v63  }
0x12: {  	_ =	swait.ge [sflag:s12], $0x6400  }
0x13: {  	[sflag:s12] =	ssyncset.done $0x0  }
0x14: {  	[sflag:s12] =	ssyncadd.s32 $0xFFFF9C00  }
0x15: {  	s23 =	simm.s32 $0x12C00;
	s18 =	rddreg [dreg:$0x1]  }
0x16: {  	[tilespmem:s23], [sflag:$0x3] =	stream.linear.gather [hbm4b:s18+s3], $0x20, $0x38;
	[tilespmem:$0x12D20] =	vst v63  }
0x17: {  	_ =	swait.ge [sflag:s12], $0x20  }
0x18: {  	[sflag:s12] =	ssyncset.done $0x0  }
0x19: {  	s18 =	simm.s32 $0x6400;
	[sflag:s12] =	ssyncadd.s32 $0xFFFFFFE0  }
0x1a: {  	[tilespmem:s18], [sflag:$0x1] =	stream.indirect.gather [hbm4b:s4+s10], $0x1, s3, s10, $0xb8;
	[tilespmem:$0x12D20] =	vst v63  }
0x1b: {  	s23 =	simm.s32 $0xC800  }
0x1c: {  	[tilespmem:s23], [sflag:$0x1] =	stream.indirect.gather [hbm4b:s5+s10], $0x1, s3, s10, $0xb8;
	[tilespmem:$0x12D20] =	vst v63  }
0x1d: {  	s7 =	simm.s32 $0x6480  }
0x1e: {  	[tilespmem:s7], [sflag:$0x1] =	stream.indirect.gather [hbm4b:s4+s10], $0x1, s10, s10, $0xb8;
	[tilespmem:$0x12D20] =	vst v63  }
0x1f: {  	s18 =	simm.s32 $0xC880  }
0x20: {  	[tilespmem:s18], [sflag:$0x1] =	stream.indirect.gather [hbm4b:s5+s10], $0x1, s10, s10, $0xb8;
	[tilespmem:$0x12D20] =	vst v63  }
0x21: {  	s6 =	simm.s32 $0x100;
	s23 =	simm.s32 $0x6500  }
0x22: {  	[tilespmem:s23], [sflag:$0x1] =	stream.indirect.gather [hbm4b:s4+s10], $0x1, s6, s10, $0xb8;
	[tilespmem:$0x12D20] =	vst v63  }
0x23: {  	s18 =	simm.s32 $0xC900  }
0x24: {  	[tilespmem:s18], [sflag:$0x1] =	stream.indirect.gather [hbm4b:s5+s10], $0x1, s6, s10, $0xb8;
	[tilespmem:$0x12D20] =	vst v63  }
0x25: {  	s23 =	simm.s32 $0x6580  }
0x26: {  	[tilespmem:s23], [sflag:$0x1] =	stream.indirect.gather [hbm4b:s4+s10], $0x1, s21, s10, $0xb8;
	[tilespmem:$0x12D20] =	vst v63  }
0x27: {  	s7 =	simm.s32 $0xC980  }
0x28: {  	[tilespmem:s7], [sflag:$0x1] =	stream.indirect.gather [hbm4b:s5+s10], $0x1, s21, s10, $0xb8;
	[tilespmem:$0x12D20] =	vst v63  }
0x29: {  	s18 =	simm.s32 $0x6600  }
0x2a: {  	[tilespmem:s18], [sflag:$0x1] =	stream.indirect.gather [hbm4b:s4+s10], $0x1, s24, s10, $0xb8;
	[tilespmem:$0x12D20] =	vst v63  }
0x2b: {  	s23 =	simm.s32 $0xCA00  }
0x2c: {  	[tilespmem:s23], [sflag:$0x1] =	stream.indirect.gather [hbm4b:s5+s10], $0x1, s24, s10, $0xb8;
	[tilespmem:$0x12D20] =	vst v63  }
0x2d: {  	s7 =	simm.s32 $0x6680  }
0x2e: {  	[tilespmem:s7], [sflag:$0x1] =	stream.indirect.gather [hbm4b:s4+s10], $0x1, s28, s10, $0xb8;
	[tilespmem:$0x12D20] =	vst v63  }
0x2f: {  	s18 =	simm.s32 $0xCA80  }
0x30: {  	[tilespmem:s18], [sflag:$0x1] =	stream.indirect.gather [hbm4b:s5+s10], $0x1, s28, s10, $0xb8;
	[tilespmem:$0x12D20] =	vst v63  }
0x31: {  	s23 =	simm.s32 $0x6700  }
0x32: {  	[tilespmem:s23], [sflag:$0x1] =	stream.indirect.gather [hbm4b:s4+s10], $0x1, s31, s10, $0xb8;
	[tilespmem:$0x12D20] =	vst v63  }
0x33: {  	s7 =	simm.s32 $0xCB00  }
0x34: {  	[tilespmem:s7], [sflag:$0x1] =	stream.indirect.gather [hbm4b:s5+s10], $0x1, s31, s10, $0xb8;
	[tilespmem:$0x12D20] =	vst v63  }
0x35: {  	s18 =	simm.s32 $0x6780  }
0x36: {  	[tilespmem:s18], [sflag:$0x1] =	stream.indirect.gather [hbm4b:s4+s10], $0x1, s1, s10, $0xb8;
	[tilespmem:$0x12D20] =	vst v63  }
0x37: {  	s23 =	simm.s32 $0xCB80  }
0x38: {  	[tilespmem:s23], [sflag:$0x1] =	stream.indirect.gather [hbm4b:s5+s10], $0x1, s1, s10, $0xb8;
	[tilespmem:$0x12D20] =	vst v63  }
0x39: {  	s7 =	simm.s32 $0x6800  }
0x3a: {  	[tilespmem:s7], [sflag:$0x1] =	stream.indirect.gather [hbm4b:s4+s10], $0x1, s14, s10, $0xb8;
	[tilespmem:$0x12D20] =	vst v63  }
0x3b: {  	s18 =	simm.s32 $0xCC00  }
0x3c: {  	[tilespmem:s18], [sflag:$0x1] =	stream.indirect.gather [hbm4b:s5+s10], $0x1, s14, s10, $0xb8;
	[tilespmem:$0x12D20] =	vst v63  }
0x3d: {  	s23 =	simm.s32 $0x6880  }
0x3e: {  	[tilespmem:s23], [sflag:$0x1] =	stream.indirect.gather [hbm4b:s4+s10], $0x1, s17, s10, $0xb8;
	[tilespmem:$0x12D20] =	vst v63  }
0x3f: {  	s7 =	simm.s32 $0xCC80  }
0x40: {  	[tilespmem:s7], [sflag:$0x1] =	stream.indirect.gather [hbm4b:s5+s10], $0x1, s17, s10, $0xb8;
	[tilespmem:$0x12D20] =	vst v63  }
0x41: {  	s18 =	simm.s32 $0x6900  }
0x42: {  	[tilespmem:s18], [sflag:$0x1] =	stream.indirect.gather [hbm4b:s4+s10], $0x1, s22, s10, $0xb8;
	[tilespmem:$0x12D20] =	vst v63  }
0x43: {  	s23 =	simm.s32 $0xCD00  }
0x44: {  	[tilespmem:s23], [sflag:$0x1] =	stream.indirect.gather [hbm4b:s5+s10], $0x1, s22, s10, $0xb8;
	[tilespmem:$0x12D20] =	vst v63  }
0x45: {  	s7 =	simm.s32 $0x6980  }
0x46: {  	[tilespmem:s7], [sflag:$0x1] =	stream.indirect.gather [hbm4b:s4+s10], $0x1, s26, s10, $0xb8;
	[tilespmem:$0x12D20] =	vst v63  }
0x47: {  	s18 =	simm.s32 $0xCD80  }
0x48: {  	[tilespmem:s18], [sflag:$0x1] =	stream.indirect.gather [hbm4b:s5+s10], $0x1, s26, s10, $0xb8;
	[tilespmem:$0x12D20] =	vst v63  }
0x49: {  	s23 =	simm.s32 $0x6A00  }
0x4a: {  	[tilespmem:s23], [sflag:$0x1] =	stream.indirect.gather [hbm4b:s4+s10], $0x1, s0, s10, $0xb8;
	[tilespmem:$0x12D20] =	vst v63  }
0x4b: {  	s7 =	simm.s32 $0xCE00  }
0x4c: {  	[tilespmem:s7], [sflag:$0x1] =	stream.indirect.gather [hbm4b:s5+s10], $0x1, s0, s10, $0xb8;
	[tilespmem:$0x12D20] =	vst v63  }
0x4d: {  	s18 =	simm.s32 $0x6A80  }
0x4e: {  	[tilespmem:s18], [sflag:$0x1] =	stream.indirect.gather [hbm4b:s4+s10], $0x1, s13, s10, $0xb8;
	[tilespmem:$0x12D20] =	vst v63  }
0x4f: {  	s23 =	simm.s32 $0xCE80  }
0x50: {  	[tilespmem:s23], [sflag:$0x1] =	stream.indirect.gather [hbm4b:s5+s10], $0x1, s13, s10, $0xb8;
	[tilespmem:$0x12D20] =	vst v63  }
0x51: {  	s7 =	simm.s32 $0x6B00  }
0x52: {  	[tilespmem:s7], [sflag:$0x1] =	stream.indirect.gather [hbm4b:s4+s10], $0x1, s19, s10, $0xb8;
	[tilespmem:$0x12D20] =	vst v63  }
0x53: {  	s18 =	simm.s32 $0xCF00  }
0x54: {  	[tilespmem:s18], [sflag:$0x1] =	stream.indirect.gather [hbm4b:s5+s10], $0x1, s19, s10, $0xb8;
	[tilespmem:$0x12D20] =	vst v63  }
0x55: {  	s23 =	simm.s32 $0x6B80  }
0x56: {  	[tilespmem:s23], [sflag:$0x1] =	stream.indirect.gather [hbm4b:s4+s10], $0x1, s25, s10, $0xb8;
	[tilespmem:$0x12D20] =	vst v63  }
0x57: {  	s7 =	simm.s32 $0xCF80  }
0x58: {  	[tilespmem:s7], [sflag:$0x1] =	stream.indirect.gather [hbm4b:s5+s10], $0x1, s25, s10, $0xb8;
	[tilespmem:$0x12D20] =	vst v63  }
0x59: {  	s18 =	simm.s32 $0x6C00  }
0x5a: {  	[tilespmem:s18], [sflag:$0x1] =	stream.indirect.gather [hbm4b:s4+s10], $0x1, s2, s10, $0xb8;
	[tilespmem:$0x12D20] =	vst v63  }
0x5b: {  	s23 =	simm.s32 $0xD000  }
0x5c: {  	[tilespmem:s23], [sflag:$0x1] =	stream.indirect.gather [hbm4b:s5+s10], $0x1, s2, s10, $0xb8;
	[tilespmem:$0x12D20] =	vst v63  }
0x5d: {  	s7 =	simm.s32 $0x6C80  }
0x5e: {  	[tilespmem:s7], [sflag:$0x1] =	stream.indirect.gather [hbm4b:s4+s10], $0x1, s16, s10, $0xb8;
	[tilespmem:$0x12D20] =	vst v63  }
0x5f: {  	s18 =	simm.s32 $0xD080  }
0x60: {  	[tilespmem:s18], [sflag:$0x1] =	stream.indirect.gather [hbm4b:s5+s10], $0x1, s16, s10, $0xb8;
	[tilespmem:$0x12D20] =	vst v63  }
0x61: {  	s23 =	simm.s32 $0x6D00  }
0x62: {  	[tilespmem:s23], [sflag:$0x1] =	stream.indirect.gather [hbm4b:s4+s10], $0x1, s29, s10, $0xb8;
	[tilespmem:$0x12D20] =	vst v63  }
0x63: {  	s7 =	simm.s32 $0xD100  }
0x64: {  	[tilespmem:s7], [sflag:$0x1] =	stream.indirect.gather [hbm4b:s5+s10], $0x1, s29, s10, $0xb8;
	[tilespmem:$0x12D20] =	vst v63  }
.Ltmp0:
0x65: {  	s18 =	simm.s32 $0x6D80;
	(pc) =	sbr.rel .LBB2_2-.Ltmp0, $4  }
0x66: {  	[tilespmem:s18], [sflag:$0x1] =	stream.indirect.gather [hbm4b:s4+s10], $0x1, s15, s10, $0xb8;
	[tilespmem:$0x12D20] =	vst v63  }
0x67: {  	s23 =	simm.s32 $0xD180  }
0x68: {  	[tilespmem:s23], [sflag:$0x1] =	stream.indirect.gather [hbm4b:s5+s10], $0x1, s15, s10, $0xb8;
	[tilespmem:$0x12D20] =	vst v63  }
0x69: {  	s23 =	simm.s32 $0x0  }
.LBB2_4:
0x6a: {  	_ =	swait.ge [sflag:s11], $0x80  }
0x6b: {  	[sflag:s11] =	ssyncset.done $0x0  }
0x6c: {  	[sflag:s11] =	ssyncadd.s32 $0xFFFFFF80  }
0x6d: {  	_ =	swait.ge [sflag:s11], $0x80  }
0x6e: {  	[sflag:s11] =	ssyncset.done $0x0  }
0x6f: {  	[sflag:s11] =	ssyncadd.s32 $0xFFFFFF80  }
0x70: {  	_ =	swait.ge [sflag:s11], $0x80  }
0x71: {  	[sflag:s11] =	ssyncset.done $0x0  }
0x72: {  	[sflag:s11] =	ssyncadd.s32 $0xFFFFFF80  }
0x73: {  	_ =	swait.ge [sflag:s11], $0x80  }
0x74: {  	[sflag:s11] =	ssyncset.done $0x0  }
0x75: {  	[sflag:s11] =	ssyncadd.s32 $0xFFFFFF80  }
0x76: {  	_ =	swait.ge [sflag:s11], $0x80  }
0x77: {  	[sflag:s11] =	ssyncset.done $0x0  }
0x78: {  	[sflag:s11] =	ssyncadd.s32 $0xFFFFFF80  }
0x79: {  	_ =	swait.ge [sflag:s11], $0x80  }
0x7a: {  	[sflag:s11] =	ssyncset.done $0x0  }
0x7b: {  	[sflag:s11] =	ssyncadd.s32 $0xFFFFFF80  }
0x7c: {  	_ =	swait.ge [sflag:s11], $0x80  }
0x7d: {  	[sflag:s11] =	ssyncset.done $0x0  }
0x7e: {  	[sflag:s11] =	ssyncadd.s32 $0xFFFFFF80  }
0x7f: {  	_ =	swait.ge [sflag:s11], $0x80  }
0x80: {  	[sflag:s11] =	ssyncset.done $0x0  }
0x81: {  	[sflag:s11] =	ssyncadd.s32 $0xFFFFFF80  }
0x82: {  	_ =	swait.ge [sflag:s11], $0x80  }
0x83: {  	[sflag:s11] =	ssyncset.done $0x0  }
0x84: {  	[sflag:s11] =	ssyncadd.s32 $0xFFFFFF80  }
0x85: {  	_ =	swait.ge [sflag:s11], $0x80  }
0x86: {  	[sflag:s11] =	ssyncset.done $0x0  }
0x87: {  	[sflag:s11] =	ssyncadd.s32 $0xFFFFFF80  }
0x88: {  	_ =	swait.ge [sflag:s11], $0x80  }
0x89: {  	[sflag:s11] =	ssyncset.done $0x0  }
0x8a: {  	[sflag:s11] =	ssyncadd.s32 $0xFFFFFF80  }
0x8b: {  	_ =	swait.ge [sflag:s11], $0x80  }
0x8c: {  	[sflag:s11] =	ssyncset.done $0x0  }
0x8d: {  	[sflag:s11] =	ssyncadd.s32 $0xFFFFFF80  }
0x8e: {  	_ =	swait.ge [sflag:s11], $0x80  }
0x8f: {  	[sflag:s11] =	ssyncset.done $0x0  }
0x90: {  	[sflag:s11] =	ssyncadd.s32 $0xFFFFFF80  }
0x91: {  	_ =	swait.ge [sflag:s11], $0x80  }
0x92: {  	[sflag:s11] =	ssyncset.done $0x0  }
0x93: {  	[sflag:s11] =	ssyncadd.s32 $0xFFFFFF80  }
0x94: {  	_ =	swait.ge [sflag:s11], $0x80  }
0x95: {  	[sflag:s11] =	ssyncset.done $0x0  }
0x96: {  	[sflag:s11] =	ssyncadd.s32 $0xFFFFFF80  }
0x97: {  	_ =	swait.ge [sflag:s11], $0x80  }
0x98: {  	[sflag:s11] =	ssyncset.done $0x0  }
0x99: {  	[sflag:s11] =	ssyncadd.s32 $0xFFFFFF80  }
0x9a: {  	_ =	swait.ge [sflag:s11], $0x80  }
0x9b: {  	[sflag:s11] =	ssyncset.done $0x0  }
0x9c: {  	[sflag:s11] =	ssyncadd.s32 $0xFFFFFF80  }
0x9d: {  	_ =	swait.ge [sflag:s11], $0x80  }
0x9e: {  	[sflag:s11] =	ssyncset.done $0x0  }
0x9f: {  	[sflag:s11] =	ssyncadd.s32 $0xFFFFFF80  }
0xa0: {  	_ =	swait.ge [sflag:s11], $0x80  }
0xa1: {  	[sflag:s11] =	ssyncset.done $0x0  }
0xa2: {  	[sflag:s11] =	ssyncadd.s32 $0xFFFFFF80  }
0xa3: {  	_ =	swait.ge [sflag:s11], $0x80  }
0xa4: {  	[sflag:s11] =	ssyncset.done $0x0  }
0xa5: {  	[sflag:s11] =	ssyncadd.s32 $0xFFFFFF80  }
0xa6: {  	_ =	swait.ge [sflag:s11], $0x80  }
0xa7: {  	[sflag:s11] =	ssyncset.done $0x0  }
0xa8: {  	[sflag:s11] =	ssyncadd.s32 $0xFFFFFF80  }
0xa9: {  	_ =	swait.ge [sflag:s11], $0x80  }
0xaa: {  	[sflag:s11] =	ssyncset.done $0x0  }
0xab: {  	[sflag:s11] =	ssyncadd.s32 $0xFFFFFF80  }
0xac: {  	_ =	swait.ge [sflag:s11], $0x80  }
0xad: {  	[sflag:s11] =	ssyncset.done $0x0  }
0xae: {  	[sflag:s11] =	ssyncadd.s32 $0xFFFFFF80  }
0xaf: {  	_ =	swait.ge [sflag:s11], $0x80  }
0xb0: {  	[sflag:s11] =	ssyncset.done $0x0  }
0xb1: {  	[sflag:s11] =	ssyncadd.s32 $0xFFFFFF80  }
0xb2: {  	_ =	swait.ge [sflag:s11], $0x80  }
0xb3: {  	[sflag:s11] =	ssyncset.done $0x0  }
0xb4: {  	[sflag:s11] =	ssyncadd.s32 $0xFFFFFF80  }
0xb5: {  	_ =	swait.ge [sflag:s11], $0x80  }
0xb6: {  	[sflag:s11] =	ssyncset.done $0x0  }
0xb7: {  	[sflag:s11] =	ssyncadd.s32 $0xFFFFFF80  }
0xb8: {  	_ =	swait.ge [sflag:s11], $0x80  }
0xb9: {  	[sflag:s11] =	ssyncset.done $0x0  }
0xba: {  	[sflag:s11] =	ssyncadd.s32 $0xFFFFFF80  }
0xbb: {  	_ =	swait.ge [sflag:s11], $0x80  }
0xbc: {  	[sflag:s11] =	ssyncset.done $0x0  }
0xbd: {  	[sflag:s11] =	ssyncadd.s32 $0xFFFFFF80  }
0xbe: {  	_ =	swait.ge [sflag:s11], $0x80  }
0xbf: {  	[sflag:s11] =	ssyncset.done $0x0  }
0xc0: {  	[sflag:s11] =	ssyncadd.s32 $0xFFFFFF80  }
0xc1: {  	_ =	swait.ge [sflag:s11], $0x80  }
0xc2: {  	[sflag:s11] =	ssyncset.done $0x0  }
0xc3: {  	[sflag:s11] =	ssyncadd.s32 $0xFFFFFF80  }
0xc4: {  	_ =	swait.ge [sflag:s11], $0x80  }
0xc5: {  	[sflag:s11] =	ssyncset.done $0x0  }
0xc6: {  	[sflag:s11] =	ssyncadd.s32 $0xFFFFFF80  }
0xc7: {  	_ =	swait.ge [sflag:s11], $0x80  }
0xc8: {  	[sflag:s11] =	ssyncset.done $0x0  }
0xc9: {  	[sflag:s11] =	ssyncadd.s32 $0xFFFFFF80  }
0xca: {  	_ =	swait.ge [sflag:s11], $0x80  }
0xcb: {  	[sflag:s11] =	ssyncset.done $0x0  }
0xcc: {  	[sflag:s11] =	ssyncadd.s32 $0xFFFFFF80  }
0xcd: {  	_ =	swait.ge [sflag:s11], $0x80  }
0xce: {  	[sflag:s11] =	ssyncset.done $0x0  }
0xcf: {  	[sflag:s11] =	ssyncadd.s32 $0xFFFFFF80  }
0xd0: {  	_ =	swait.ge [sflag:s11], $0x80  }
0xd1: {  	[sflag:s11] =	ssyncset.done $0x0  }
0xd2: {  	[sflag:s11] =	ssyncadd.s32 $0xFFFFFF80  }
0xd3: {  	_ =	swait.ge [sflag:s11], $0x80  }
0xd4: {  	[sflag:s11] =	ssyncset.done $0x0  }
0xd5: {  	[sflag:s11] =	ssyncadd.s32 $0xFFFFFF80  }
0xd6: {  	_ =	swait.ge [sflag:s11], $0x80  }
0xd7: {  	[sflag:s11] =	ssyncset.done $0x0  }
0xd8: {  	[sflag:s11] =	ssyncadd.s32 $0xFFFFFF80  }
0xd9: {  	_ =	swait.ge [sflag:s11], $0x80  }
0xda: {  	[sflag:s11] =	ssyncset.done $0x0  }
0xdb: {  	s23 =	sadd.s32 $0x5000, s23;
	[sflag:s11] =	ssyncadd.s32 $0xFFFFFF80  }
0xdc: {  	p0 =	sne.s32 s23, $0x19000;
	_ =	swait.ge [sflag:s11], $0x80  }
.Ltmp1:
0xdd: {  	[sflag:s11] =	ssyncset.done $0x0;
	(pc) =	sbr.rel @!p0 .LBB2_5-.Ltmp1, $4  }
0xde: {  	[sflag:s11] =	ssyncadd.s32 $0xFFFFFF80  }
0xdf: {  	_ =	swait.ge [sflag:s11], $0x80  }
0xe0: {  	[sflag:s11] =	ssyncset.done $0x0  }
0xe1: {  	[sflag:s11] =	ssyncadd.s32 $0xFFFFFF80  }
.LBB2_2:
0xe2: {  	s6 =	sshra.s32 s23, $0x2  }
0xe3: {  	s18 =	sadd.s32 $0x6E00, s6;
	s7 =	sadd.s32 $0xA00, s6  }
0xe4: {  	[tilespmem:s18], [sflag:$0x2] =	stream.indirect.gather [hbm4b:s4+s10], $0x1, s7, s10, $0xb8;
	[tilespmem:$0x12D20] =	vst v63  }
0xe5: {  	s18 =	sadd.s32 $0xD200, s6  }
0xe6: {  	[tilespmem:s18], [sflag:$0x2] =	stream.indirect.gather [hbm4b:s5+s10], $0x1, s7, s10, $0xb8;
	[tilespmem:$0x12D20] =	vst v63  }
0xe7: {  	s7 =	sadd.s32 $0x6E80, s6;
	s18 =	sadd.s32 $0xA80, s6  }
0xe8: {  	[tilespmem:s7], [sflag:$0x2] =	stream.indirect.gather [hbm4b:s4+s10], $0x1, s18, s10, $0xb8;
	[tilespmem:$0x12D20] =	vst v63  }
0xe9: {  	s7 =	sadd.s32 $0xD280, s6  }
0xea: {  	[tilespmem:s7], [sflag:$0x2] =	stream.indirect.gather [hbm4b:s5+s10], $0x1, s18, s10, $0xb8;
	[tilespmem:$0x12D20] =	vst v63  }
0xeb: {  	s7 =	sadd.s32 $0x6F00, s6;
	s18 =	sadd.s32 $0xB00, s6  }
0xec: {  	[tilespmem:s7], [sflag:$0x2] =	stream.indirect.gather [hbm4b:s4+s10], $0x1, s18, s10, $0xb8;
	[tilespmem:$0x12D20] =	vst v63  }
0xed: {  	s7 =	sadd.s32 $0xD300, s6  }
0xee: {  	[tilespmem:s7], [sflag:$0x2] =	stream.indirect.gather [hbm4b:s5+s10], $0x1, s18, s10, $0xb8;
	[tilespmem:$0x12D20] =	vst v63  }
0xef: {  	s7 =	sadd.s32 $0x6F80, s6;
	s18 =	sadd.s32 $0xB80, s6  }
0xf0: {  	[tilespmem:s7], [sflag:$0x2] =	stream.indirect.gather [hbm4b:s4+s10], $0x1, s18, s10, $0xb8;
	[tilespmem:$0x12D20] =	vst v63  }
0xf1: {  	s7 =	sadd.s32 $0xD380, s6  }
0xf2: {  	[tilespmem:s7], [sflag:$0x2] =	stream.indirect.gather [hbm4b:s5+s10], $0x1, s18, s10, $0xb8;
	[tilespmem:$0x12D20] =	vst v63  }
0xf3: {  	s7 =	sadd.s32 $0x7000, s6;
	s18 =	sadd.s32 $0xC00, s6  }
0xf4: {  	[tilespmem:s7], [sflag:$0x2] =	stream.indirect.gather [hbm4b:s4+s10], $0x1, s18, s10, $0xb8;
	[tilespmem:$0x12D20] =	vst v63  }
0xf5: {  	s7 =	sadd.s32 $0xD400, s6  }
0xf6: {  	[tilespmem:s7], [sflag:$0x2] =	stream.indirect.gather [hbm4b:s5+s10], $0x1, s18, s10, $0xb8;
	[tilespmem:$0x12D20] =	vst v63  }
0xf7: {  	s7 =	sadd.s32 $0x7080, s6;
	s18 =	sadd.s32 $0xC80, s6  }
0xf8: {  	[tilespmem:s7], [sflag:$0x2] =	stream.indirect.gather [hbm4b:s4+s10], $0x1, s18, s10, $0xb8;
	[tilespmem:$0x12D20] =	vst v63  }
0xf9: {  	s7 =	sadd.s32 $0xD480, s6  }
0xfa: {  	[tilespmem:s7], [sflag:$0x2] =	stream.indirect.gather [hbm4b:s5+s10], $0x1, s18, s10, $0xb8;
	[tilespmem:$0x12D20] =	vst v63  }
0xfb: {  	s7 =	sadd.s32 $0x7100, s6;
	s18 =	sadd.s32 $0xD00, s6  }
0xfc: {  	[tilespmem:s7], [sflag:$0x2] =	stream.indirect.gather [hbm4b:s4+s10], $0x1, s18, s10, $0xb8;
	[tilespmem:$0x12D20] =	vst v63  }
0xfd: {  	s7 =	sadd.s32 $0xD500, s6  }
0xfe: {  	[tilespmem:s7], [sflag:$0x2] =	stream.indirect.gather [hbm4b:s5+s10], $0x1, s18, s10, $0xb8;
	[tilespmem:$0x12D20] =	vst v63  }
0xff: {  	s7 =	sadd.s32 $0x7180, s6;
	s18 =	sadd.s32 $0xD80, s6  }
0x100: {  	[tilespmem:s7], [sflag:$0x2] =	stream.indirect.gather [hbm4b:s4+s10], $0x1, s18, s10, $0xb8;
	[tilespmem:$0x12D20] =	vst v63  }
0x101: {  	s7 =	sadd.s32 $0xD580, s6  }
0x102: {  	[tilespmem:s7], [sflag:$0x2] =	stream.indirect.gather [hbm4b:s5+s10], $0x1, s18, s10, $0xb8;
	[tilespmem:$0x12D20] =	vst v63  }
0x103: {  	s7 =	sadd.s32 $0x7200, s6;
	s18 =	sadd.s32 $0xE00, s6  }
0x104: {  	[tilespmem:s7], [sflag:$0x2] =	stream.indirect.gather [hbm4b:s4+s10], $0x1, s18, s10, $0xb8;
	[tilespmem:$0x12D20] =	vst v63  }
0x105: {  	s7 =	sadd.s32 $0xD600, s6  }
0x106: {  	[tilespmem:s7], [sflag:$0x2] =	stream.indirect.gather [hbm4b:s5+s10], $0x1, s18, s10, $0xb8;
	[tilespmem:$0x12D20] =	vst v63  }
0x107: {  	s7 =	sadd.s32 $0x7280, s6;
	s18 =	sadd.s32 $0xE80, s6  }
0x108: {  	[tilespmem:s7], [sflag:$0x2] =	stream.indirect.gather [hbm4b:s4+s10], $0x1, s18, s10, $0xb8;
	[tilespmem:$0x12D20] =	vst v63  }
0x109: {  	s7 =	sadd.s32 $0xD680, s6  }
0x10a: {  	[tilespmem:s7], [sflag:$0x2] =	stream.indirect.gather [hbm4b:s5+s10], $0x1, s18, s10, $0xb8;
	[tilespmem:$0x12D20] =	vst v63  }
0x10b: {  	s7 =	sadd.s32 $0x7300, s6;
	s18 =	sadd.s32 $0xF00, s6  }
0x10c: {  	[tilespmem:s7], [sflag:$0x2] =	stream.indirect.gather [hbm4b:s4+s10], $0x1, s18, s10, $0xb8;
	[tilespmem:$0x12D20] =	vst v63  }
0x10d: {  	s7 =	sadd.s32 $0xD700, s6  }
0x10e: {  	[tilespmem:s7], [sflag:$0x2] =	stream.indirect.gather [hbm4b:s5+s10], $0x1, s18, s10, $0xb8;
	[tilespmem:$0x12D20] =	vst v63  }
0x10f: {  	s7 =	sadd.s32 $0x7380, s6;
	s18 =	sadd.s32 $0xF80, s6  }
0x110: {  	[tilespmem:s7], [sflag:$0x2] =	stream.indirect.gather [hbm4b:s4+s10], $0x1, s18, s10, $0xb8;
	[tilespmem:$0x12D20] =	vst v63  }
0x111: {  	s7 =	sadd.s32 $0xD780, s6  }
0x112: {  	[tilespmem:s7], [sflag:$0x2] =	stream.indirect.gather [hbm4b:s5+s10], $0x1, s18, s10, $0xb8;
	[tilespmem:$0x12D20] =	vst v63  }
0x113: {  	s7 =	sadd.s32 $0x7400, s6;
	s18 =	sadd.s32 $0x1000, s6  }
0x114: {  	[tilespmem:s7], [sflag:$0x2] =	stream.indirect.gather [hbm4b:s4+s10], $0x1, s18, s10, $0xb8;
	[tilespmem:$0x12D20] =	vst v63  }
0x115: {  	s7 =	sadd.s32 $0xD800, s6  }
0x116: {  	[tilespmem:s7], [sflag:$0x2] =	stream.indirect.gather [hbm4b:s5+s10], $0x1, s18, s10, $0xb8;
	[tilespmem:$0x12D20] =	vst v63  }
0x117: {  	s7 =	sadd.s32 $0x7480, s6;
	s18 =	sadd.s32 $0x1080, s6  }
0x118: {  	[tilespmem:s7], [sflag:$0x2] =	stream.indirect.gather [hbm4b:s4+s10], $0x1, s18, s10, $0xb8;
	[tilespmem:$0x12D20] =	vst v63  }
0x119: {  	s7 =	sadd.s32 $0xD880, s6  }
0x11a: {  	[tilespmem:s7], [sflag:$0x2] =	stream.indirect.gather [hbm4b:s5+s10], $0x1, s18, s10, $0xb8;
	[tilespmem:$0x12D20] =	vst v63  }
0x11b: {  	s7 =	sadd.s32 $0x7500, s6;
	s18 =	sadd.s32 $0x1100, s6  }
0x11c: {  	[tilespmem:s7], [sflag:$0x2] =	stream.indirect.gather [hbm4b:s4+s10], $0x1, s18, s10, $0xb8;
	[tilespmem:$0x12D20] =	vst v63  }
0x11d: {  	s7 =	sadd.s32 $0xD900, s6  }
0x11e: {  	[tilespmem:s7], [sflag:$0x2] =	stream.indirect.gather [hbm4b:s5+s10], $0x1, s18, s10, $0xb8;
	[tilespmem:$0x12D20] =	vst v63  }
0x11f: {  	s7 =	sadd.s32 $0x7580, s6;
	s18 =	sadd.s32 $0x1180, s6  }
0x120: {  	[tilespmem:s7], [sflag:$0x2] =	stream.indirect.gather [hbm4b:s4+s10], $0x1, s18, s10, $0xb8;
	[tilespmem:$0x12D20] =	vst v63  }
0x121: {  	s7 =	sadd.s32 $0xD980, s6  }
0x122: {  	[tilespmem:s7], [sflag:$0x2] =	stream.indirect.gather [hbm4b:s5+s10], $0x1, s18, s10, $0xb8;
	[tilespmem:$0x12D20] =	vst v63  }
0x123: {  	s7 =	sadd.s32 $0x7600, s6;
	s18 =	sadd.s32 $0x1200, s6  }
0x124: {  	[tilespmem:s7], [sflag:$0x2] =	stream.indirect.gather [hbm4b:s4+s10], $0x1, s18, s10, $0xb8;
	[tilespmem:$0x12D20] =	vst v63  }
0x125: {  	s7 =	sadd.s32 $0xDA00, s6  }
0x126: {  	[tilespmem:s7], [sflag:$0x2] =	stream.indirect.gather [hbm4b:s5+s10], $0x1, s18, s10, $0xb8;
	[tilespmem:$0x12D20] =	vst v63  }
0x127: {  	s7 =	sadd.s32 $0x7680, s6;
	s18 =	sadd.s32 $0x1280, s6  }
0x128: {  	[tilespmem:s7], [sflag:$0x2] =	stream.indirect.gather [hbm4b:s4+s10], $0x1, s18, s10, $0xb8;
	[tilespmem:$0x12D20] =	vst v63  }
0x129: {  	s7 =	sadd.s32 $0xDA80, s6  }
0x12a: {  	[tilespmem:s7], [sflag:$0x2] =	stream.indirect.gather [hbm4b:s5+s10], $0x1, s18, s10, $0xb8;
	[tilespmem:$0x12D20] =	vst v63  }
0x12b: {  	s7 =	sadd.s32 $0x7700, s6;
	s18 =	sadd.s32 $0x1300, s6  }
0x12c: {  	[tilespmem:s7], [sflag:$0x2] =	stream.indirect.gather [hbm4b:s4+s10], $0x1, s18, s10, $0xb8;
	[tilespmem:$0x12D20] =	vst v63  }
0x12d: {  	s7 =	sadd.s32 $0xDB00, s6  }
0x12e: {  	[tilespmem:s7], [sflag:$0x2] =	stream.indirect.gather [hbm4b:s5+s10], $0x1, s18, s10, $0xb8;
	[tilespmem:$0x12D20] =	vst v63  }
0x12f: {  	s7 =	sadd.s32 $0x7780, s6;
	s18 =	sadd.s32 $0x1380, s6  }
0x130: {  	[tilespmem:s7], [sflag:$0x2] =	stream.indirect.gather [hbm4b:s4+s10], $0x1, s18, s10, $0xb8;
	[tilespmem:$0x12D20] =	vst v63  }
0x131: {  	s7 =	sadd.s32 $0xDB80, s6  }
0x132: {  	[tilespmem:s7], [sflag:$0x2] =	stream.indirect.gather [hbm4b:s5+s10], $0x1, s18, s10, $0xb8;
	[tilespmem:$0x12D20] =	vst v63  }
0x133: {  	_ =	swait.ge [sflag:s30], $0x80  }
0x134: {  	[sflag:s30] =	ssyncset.done $0x0  }
0x135: {  	[sflag:s30] =	ssyncadd.s32 $0xFFFFFF80  }
0x136: {  	_ =	swait.ge [sflag:s30], $0x80  }
0x137: {  	[sflag:s30] =	ssyncset.done $0x0  }
0x138: {  	[sflag:s30] =	ssyncadd.s32 $0xFFFFFF80  }
0x139: {  	_ =	swait.ge [sflag:s30], $0x80  }
0x13a: {  	[sflag:s30] =	ssyncset.done $0x0  }
0x13b: {  	[sflag:s30] =	ssyncadd.s32 $0xFFFFFF80  }
0x13c: {  	_ =	swait.ge [sflag:s30], $0x80  }
0x13d: {  	[sflag:s30] =	ssyncset.done $0x0  }
0x13e: {  	[sflag:s30] =	ssyncadd.s32 $0xFFFFFF80  }
0x13f: {  	_ =	swait.ge [sflag:s30], $0x80  }
0x140: {  	[sflag:s30] =	ssyncset.done $0x0  }
0x141: {  	[sflag:s30] =	ssyncadd.s32 $0xFFFFFF80  }
0x142: {  	_ =	swait.ge [sflag:s30], $0x80  }
0x143: {  	[sflag:s30] =	ssyncset.done $0x0  }
0x144: {  	[sflag:s30] =	ssyncadd.s32 $0xFFFFFF80  }
0x145: {  	_ =	swait.ge [sflag:s30], $0x80  }
0x146: {  	[sflag:s30] =	ssyncset.done $0x0  }
0x147: {  	[sflag:s30] =	ssyncadd.s32 $0xFFFFFF80  }
0x148: {  	_ =	swait.ge [sflag:s30], $0x80  }
0x149: {  	[sflag:s30] =	ssyncset.done $0x0  }
0x14a: {  	[sflag:s30] =	ssyncadd.s32 $0xFFFFFF80  }
0x14b: {  	_ =	swait.ge [sflag:s30], $0x80  }
0x14c: {  	[sflag:s30] =	ssyncset.done $0x0  }
0x14d: {  	[sflag:s30] =	ssyncadd.s32 $0xFFFFFF80  }
0x14e: {  	_ =	swait.ge [sflag:s30], $0x80  }
0x14f: {  	[sflag:s30] =	ssyncset.done $0x0  }
0x150: {  	[sflag:s30] =	ssyncadd.s32 $0xFFFFFF80  }
0x151: {  	_ =	swait.ge [sflag:s30], $0x80  }
0x152: {  	[sflag:s30] =	ssyncset.done $0x0  }
0x153: {  	[sflag:s30] =	ssyncadd.s32 $0xFFFFFF80  }
0x154: {  	_ =	swait.ge [sflag:s30], $0x80  }
0x155: {  	[sflag:s30] =	ssyncset.done $0x0  }
0x156: {  	[sflag:s30] =	ssyncadd.s32 $0xFFFFFF80  }
0x157: {  	_ =	swait.ge [sflag:s30], $0x80  }
0x158: {  	[sflag:s30] =	ssyncset.done $0x0  }
0x159: {  	[sflag:s30] =	ssyncadd.s32 $0xFFFFFF80  }
0x15a: {  	_ =	swait.ge [sflag:s30], $0x80  }
0x15b: {  	[sflag:s30] =	ssyncset.done $0x0  }
0x15c: {  	[sflag:s30] =	ssyncadd.s32 $0xFFFFFF80  }
0x15d: {  	_ =	swait.ge [sflag:s30], $0x80  }
0x15e: {  	[sflag:s30] =	ssyncset.done $0x0  }
0x15f: {  	[sflag:s30] =	ssyncadd.s32 $0xFFFFFF80  }
0x160: {  	_ =	swait.ge [sflag:s30], $0x80  }
0x161: {  	[sflag:s30] =	ssyncset.done $0x0  }
0x162: {  	[sflag:s30] =	ssyncadd.s32 $0xFFFFFF80  }
0x163: {  	_ =	swait.ge [sflag:s30], $0x80  }
0x164: {  	[sflag:s30] =	ssyncset.done $0x0  }
0x165: {  	[sflag:s30] =	ssyncadd.s32 $0xFFFFFF80  }
0x166: {  	_ =	swait.ge [sflag:s30], $0x80  }
0x167: {  	[sflag:s30] =	ssyncset.done $0x0  }
0x168: {  	[sflag:s30] =	ssyncadd.s32 $0xFFFFFF80  }
0x169: {  	_ =	swait.ge [sflag:s30], $0x80  }
0x16a: {  	[sflag:s30] =	ssyncset.done $0x0  }
0x16b: {  	[sflag:s30] =	ssyncadd.s32 $0xFFFFFF80  }
0x16c: {  	_ =	swait.ge [sflag:s30], $0x80  }
0x16d: {  	[sflag:s30] =	ssyncset.done $0x0  }
0x16e: {  	[sflag:s30] =	ssyncadd.s32 $0xFFFFFF80  }
0x16f: {  	_ =	swait.ge [sflag:s30], $0x80  }
0x170: {  	[sflag:s30] =	ssyncset.done $0x0  }
0x171: {  	[sflag:s30] =	ssyncadd.s32 $0xFFFFFF80  }
0x172: {  	_ =	swait.ge [sflag:s30], $0x80  }
0x173: {  	[sflag:s30] =	ssyncset.done $0x0  }
0x174: {  	[sflag:s30] =	ssyncadd.s32 $0xFFFFFF80  }
0x175: {  	_ =	swait.ge [sflag:s30], $0x80  }
0x176: {  	[sflag:s30] =	ssyncset.done $0x0  }
0x177: {  	[sflag:s30] =	ssyncadd.s32 $0xFFFFFF80  }
0x178: {  	_ =	swait.ge [sflag:s30], $0x80  }
0x179: {  	[sflag:s30] =	ssyncset.done $0x0  }
0x17a: {  	[sflag:s30] =	ssyncadd.s32 $0xFFFFFF80  }
0x17b: {  	_ =	swait.ge [sflag:s30], $0x80  }
0x17c: {  	[sflag:s30] =	ssyncset.done $0x0  }
0x17d: {  	[sflag:s30] =	ssyncadd.s32 $0xFFFFFF80  }
0x17e: {  	_ =	swait.ge [sflag:s30], $0x80  }
0x17f: {  	[sflag:s30] =	ssyncset.done $0x0  }
0x180: {  	[sflag:s30] =	ssyncadd.s32 $0xFFFFFF80  }
0x181: {  	_ =	swait.ge [sflag:s30], $0x80  }
0x182: {  	[sflag:s30] =	ssyncset.done $0x0  }
0x183: {  	[sflag:s30] =	ssyncadd.s32 $0xFFFFFF80  }
0x184: {  	_ =	swait.ge [sflag:s30], $0x80  }
0x185: {  	[sflag:s30] =	ssyncset.done $0x0  }
0x186: {  	[sflag:s30] =	ssyncadd.s32 $0xFFFFFF80  }
0x187: {  	_ =	swait.ge [sflag:s30], $0x80  }
0x188: {  	[sflag:s30] =	ssyncset.done $0x0  }
0x189: {  	[sflag:s30] =	ssyncadd.s32 $0xFFFFFF80  }
0x18a: {  	_ =	swait.ge [sflag:s30], $0x80  }
0x18b: {  	[sflag:s30] =	ssyncset.done $0x0  }
0x18c: {  	[sflag:s30] =	ssyncadd.s32 $0xFFFFFF80  }
0x18d: {  	_ =	swait.ge [sflag:s30], $0x80  }
0x18e: {  	[sflag:s30] =	ssyncset.done $0x0  }
0x18f: {  	[sflag:s30] =	ssyncadd.s32 $0xFFFFFF80  }
0x190: {  	_ =	swait.ge [sflag:s30], $0x80  }
0x191: {  	[sflag:s30] =	ssyncset.done $0x0  }
0x192: {  	[sflag:s30] =	ssyncadd.s32 $0xFFFFFF80  }
0x193: {  	_ =	swait.ge [sflag:s30], $0x80  }
0x194: {  	[sflag:s30] =	ssyncset.done $0x0  }
0x195: {  	[sflag:s30] =	ssyncadd.s32 $0xFFFFFF80  }
0x196: {  	_ =	swait.ge [sflag:s30], $0x80  }
0x197: {  	[sflag:s30] =	ssyncset.done $0x0  }
0x198: {  	[sflag:s30] =	ssyncadd.s32 $0xFFFFFF80  }
0x199: {  	_ =	swait.ge [sflag:s30], $0x80  }
0x19a: {  	[sflag:s30] =	ssyncset.done $0x0  }
0x19b: {  	[sflag:s30] =	ssyncadd.s32 $0xFFFFFF80  }
0x19c: {  	_ =	swait.ge [sflag:s30], $0x80  }
0x19d: {  	[sflag:s30] =	ssyncset.done $0x0  }
0x19e: {  	[sflag:s30] =	ssyncadd.s32 $0xFFFFFF80  }
0x19f: {  	_ =	swait.ge [sflag:s30], $0x80  }
0x1a0: {  	[sflag:s30] =	ssyncset.done $0x0  }
0x1a1: {  	[sflag:s30] =	ssyncadd.s32 $0xFFFFFF80  }
0x1a2: {  	_ =	swait.ge [sflag:s30], $0x80  }
0x1a3: {  	[sflag:s30] =	ssyncset.done $0x0  }
0x1a4: {  	[sflag:s30] =	ssyncadd.s32 $0xFFFFFF80  }
0x1a5: {  	p0 =	seq.s32 s23, $0x14000;
	_ =	swait.ge [sflag:s30], $0x80  }
.Ltmp2:
0x1a6: {  	[sflag:s30] =	ssyncset.done $0x0;
	(pc) =	sbr.rel @p0 .LBB2_4-.Ltmp2, $4  }
0x1a7: {  	[sflag:s30] =	ssyncadd.s32 $0xFFFFFF80  }
0x1a8: {  	_ =	swait.ge [sflag:s30], $0x80  }
0x1a9: {  	[sflag:s30] =	ssyncset.done $0x0  }
0x1aa: {  	[sflag:s30] =	ssyncadd.s32 $0xFFFFFF80  }
0x1ab: {  	s7 =	sadd.s32 $0x7800, s6;
	s18 =	sadd.s32 $0x1400, s6  }
0x1ac: {  	[tilespmem:s7], [sflag:$0x1] =	stream.indirect.gather [hbm4b:s4+s10], $0x1, s18, s10, $0xb8;
	[tilespmem:$0x12D20] =	vst v63  }
0x1ad: {  	s7 =	sadd.s32 $0xDC00, s6  }
0x1ae: {  	[tilespmem:s7], [sflag:$0x1] =	stream.indirect.gather [hbm4b:s5+s10], $0x1, s18, s10, $0xb8;
	[tilespmem:$0x12D20] =	vst v63  }
0x1af: {  	s7 =	sadd.s32 $0x7880, s6;
	s18 =	sadd.s32 $0x1480, s6  }
0x1b0: {  	[tilespmem:s7], [sflag:$0x1] =	stream.indirect.gather [hbm4b:s4+s10], $0x1, s18, s10, $0xb8;
	[tilespmem:$0x12D20] =	vst v63  }
0x1b1: {  	s7 =	sadd.s32 $0xDC80, s6  }
0x1b2: {  	[tilespmem:s7], [sflag:$0x1] =	stream.indirect.gather [hbm4b:s5+s10], $0x1, s18, s10, $0xb8;
	[tilespmem:$0x12D20] =	vst v63  }
0x1b3: {  	s7 =	sadd.s32 $0x7900, s6;
	s18 =	sadd.s32 $0x1500, s6  }
0x1b4: {  	[tilespmem:s7], [sflag:$0x1] =	stream.indirect.gather [hbm4b:s4+s10], $0x1, s18, s10, $0xb8;
	[tilespmem:$0x12D20] =	vst v63  }
0x1b5: {  	s7 =	sadd.s32 $0xDD00, s6  }
0x1b6: {  	[tilespmem:s7], [sflag:$0x1] =	stream.indirect.gather [hbm4b:s5+s10], $0x1, s18, s10, $0xb8;
	[tilespmem:$0x12D20] =	vst v63  }
0x1b7: {  	s7 =	sadd.s32 $0x7980, s6;
	s18 =	sadd.s32 $0x1580, s6  }
0x1b8: {  	[tilespmem:s7], [sflag:$0x1] =	stream.indirect.gather [hbm4b:s4+s10], $0x1, s18, s10, $0xb8;
	[tilespmem:$0x12D20] =	vst v63  }
0x1b9: {  	s7 =	sadd.s32 $0xDD80, s6  }
0x1ba: {  	[tilespmem:s7], [sflag:$0x1] =	stream.indirect.gather [hbm4b:s5+s10], $0x1, s18, s10, $0xb8;
	[tilespmem:$0x12D20] =	vst v63  }
0x1bb: {  	s7 =	sadd.s32 $0x7A00, s6;
	s18 =	sadd.s32 $0x1600, s6  }
0x1bc: {  	[tilespmem:s7], [sflag:$0x1] =	stream.indirect.gather [hbm4b:s4+s10], $0x1, s18, s10, $0xb8;
	[tilespmem:$0x12D20] =	vst v63  }
0x1bd: {  	s7 =	sadd.s32 $0xDE00, s6  }
0x1be: {  	[tilespmem:s7], [sflag:$0x1] =	stream.indirect.gather [hbm4b:s5+s10], $0x1, s18, s10, $0xb8;
	[tilespmem:$0x12D20] =	vst v63  }
0x1bf: {  	s7 =	sadd.s32 $0x7A80, s6;
	s18 =	sadd.s32 $0x1680, s6  }
0x1c0: {  	[tilespmem:s7], [sflag:$0x1] =	stream.indirect.gather [hbm4b:s4+s10], $0x1, s18, s10, $0xb8;
	[tilespmem:$0x12D20] =	vst v63  }
0x1c1: {  	s7 =	sadd.s32 $0xDE80, s6  }
0x1c2: {  	[tilespmem:s7], [sflag:$0x1] =	stream.indirect.gather [hbm4b:s5+s10], $0x1, s18, s10, $0xb8;
	[tilespmem:$0x12D20] =	vst v63  }
0x1c3: {  	s7 =	sadd.s32 $0x7B00, s6;
	s18 =	sadd.s32 $0x1700, s6  }
0x1c4: {  	[tilespmem:s7], [sflag:$0x1] =	stream.indirect.gather [hbm4b:s4+s10], $0x1, s18, s10, $0xb8;
	[tilespmem:$0x12D20] =	vst v63  }
0x1c5: {  	s7 =	sadd.s32 $0xDF00, s6  }
0x1c6: {  	[tilespmem:s7], [sflag:$0x1] =	stream.indirect.gather [hbm4b:s5+s10], $0x1, s18, s10, $0xb8;
	[tilespmem:$0x12D20] =	vst v63  }
0x1c7: {  	s7 =	sadd.s32 $0x7B80, s6;
	s18 =	sadd.s32 $0x1780, s6  }
0x1c8: {  	[tilespmem:s7], [sflag:$0x1] =	stream.indirect.gather [hbm4b:s4+s10], $0x1, s18, s10, $0xb8;
	[tilespmem:$0x12D20] =	vst v63  }
0x1c9: {  	s7 =	sadd.s32 $0xDF80, s6  }
0x1ca: {  	[tilespmem:s7], [sflag:$0x1] =	stream.indirect.gather [hbm4b:s5+s10], $0x1, s18, s10, $0xb8;
	[tilespmem:$0x12D20] =	vst v63  }
0x1cb: {  	s7 =	sadd.s32 $0x7C00, s6;
	s18 =	sadd.s32 $0x1800, s6  }
0x1cc: {  	[tilespmem:s7], [sflag:$0x1] =	stream.indirect.gather [hbm4b:s4+s10], $0x1, s18, s10, $0xb8;
	[tilespmem:$0x12D20] =	vst v63  }
0x1cd: {  	s7 =	sadd.s32 $0xE000, s6  }
0x1ce: {  	[tilespmem:s7], [sflag:$0x1] =	stream.indirect.gather [hbm4b:s5+s10], $0x1, s18, s10, $0xb8;
	[tilespmem:$0x12D20] =	vst v63  }
0x1cf: {  	s7 =	sadd.s32 $0x7C80, s6;
	s18 =	sadd.s32 $0x1880, s6  }
0x1d0: {  	[tilespmem:s7], [sflag:$0x1] =	stream.indirect.gather [hbm4b:s4+s10], $0x1, s18, s10, $0xb8;
	[tilespmem:$0x12D20] =	vst v63  }
0x1d1: {  	s7 =	sadd.s32 $0xE080, s6  }
0x1d2: {  	[tilespmem:s7], [sflag:$0x1] =	stream.indirect.gather [hbm4b:s5+s10], $0x1, s18, s10, $0xb8;
	[tilespmem:$0x12D20] =	vst v63  }
0x1d3: {  	s7 =	sadd.s32 $0x7D00, s6;
	s18 =	sadd.s32 $0x1900, s6  }
0x1d4: {  	[tilespmem:s7], [sflag:$0x1] =	stream.indirect.gather [hbm4b:s4+s10], $0x1, s18, s10, $0xb8;
	[tilespmem:$0x12D20] =	vst v63  }
0x1d5: {  	s7 =	sadd.s32 $0xE100, s6  }
0x1d6: {  	[tilespmem:s7], [sflag:$0x1] =	stream.indirect.gather [hbm4b:s5+s10], $0x1, s18, s10, $0xb8;
	[tilespmem:$0x12D20] =	vst v63  }
0x1d7: {  	s7 =	sadd.s32 $0x7D80, s6;
	s18 =	sadd.s32 $0x1980, s6  }
0x1d8: {  	[tilespmem:s7], [sflag:$0x1] =	stream.indirect.gather [hbm4b:s4+s10], $0x1, s18, s10, $0xb8;
	[tilespmem:$0x12D20] =	vst v63  }
0x1d9: {  	s7 =	sadd.s32 $0xE180, s6  }
0x1da: {  	[tilespmem:s7], [sflag:$0x1] =	stream.indirect.gather [hbm4b:s5+s10], $0x1, s18, s10, $0xb8;
	[tilespmem:$0x12D20] =	vst v63  }
0x1db: {  	s7 =	sadd.s32 $0x7E00, s6;
	s18 =	sadd.s32 $0x1A00, s6  }
0x1dc: {  	[tilespmem:s7], [sflag:$0x1] =	stream.indirect.gather [hbm4b:s4+s10], $0x1, s18, s10, $0xb8;
	[tilespmem:$0x12D20] =	vst v63  }
0x1dd: {  	s7 =	sadd.s32 $0xE200, s6  }
0x1de: {  	[tilespmem:s7], [sflag:$0x1] =	stream.indirect.gather [hbm4b:s5+s10], $0x1, s18, s10, $0xb8;
	[tilespmem:$0x12D20] =	vst v63  }
0x1df: {  	s7 =	sadd.s32 $0x7E80, s6;
	s18 =	sadd.s32 $0x1A80, s6  }
0x1e0: {  	[tilespmem:s7], [sflag:$0x1] =	stream.indirect.gather [hbm4b:s4+s10], $0x1, s18, s10, $0xb8;
	[tilespmem:$0x12D20] =	vst v63  }
0x1e1: {  	s7 =	sadd.s32 $0xE280, s6  }
0x1e2: {  	[tilespmem:s7], [sflag:$0x1] =	stream.indirect.gather [hbm4b:s5+s10], $0x1, s18, s10, $0xb8;
	[tilespmem:$0x12D20] =	vst v63  }
0x1e3: {  	s7 =	sadd.s32 $0x7F00, s6;
	s18 =	sadd.s32 $0x1B00, s6  }
0x1e4: {  	[tilespmem:s7], [sflag:$0x1] =	stream.indirect.gather [hbm4b:s4+s10], $0x1, s18, s10, $0xb8;
	[tilespmem:$0x12D20] =	vst v63  }
0x1e5: {  	s7 =	sadd.s32 $0xE300, s6  }
0x1e6: {  	[tilespmem:s7], [sflag:$0x1] =	stream.indirect.gather [hbm4b:s5+s10], $0x1, s18, s10, $0xb8;
	[tilespmem:$0x12D20] =	vst v63  }
0x1e7: {  	s7 =	sadd.s32 $0x7F80, s6;
	s18 =	sadd.s32 $0x1B80, s6  }
0x1e8: {  	[tilespmem:s7], [sflag:$0x1] =	stream.indirect.gather [hbm4b:s4+s10], $0x1, s18, s10, $0xb8;
	[tilespmem:$0x12D20] =	vst v63  }
0x1e9: {  	s7 =	sadd.s32 $0xE380, s6  }
0x1ea: {  	[tilespmem:s7], [sflag:$0x1] =	stream.indirect.gather [hbm4b:s5+s10], $0x1, s18, s10, $0xb8;
	[tilespmem:$0x12D20] =	vst v63  }
0x1eb: {  	s7 =	sadd.s32 $0x8000, s6;
	s18 =	sadd.s32 $0x1C00, s6  }
0x1ec: {  	[tilespmem:s7], [sflag:$0x1] =	stream.indirect.gather [hbm4b:s4+s10], $0x1, s18, s10, $0xb8;
	[tilespmem:$0x12D20] =	vst v63  }
0x1ed: {  	s7 =	sadd.s32 $0xE400, s6  }
0x1ee: {  	[tilespmem:s7], [sflag:$0x1] =	stream.indirect.gather [hbm4b:s5+s10], $0x1, s18, s10, $0xb8;
	[tilespmem:$0x12D20] =	vst v63  }
0x1ef: {  	s7 =	sadd.s32 $0x8080, s6;
	s18 =	sadd.s32 $0x1C80, s6  }
0x1f0: {  	[tilespmem:s7], [sflag:$0x1] =	stream.indirect.gather [hbm4b:s4+s10], $0x1, s18, s10, $0xb8;
	[tilespmem:$0x12D20] =	vst v63  }
0x1f1: {  	s7 =	sadd.s32 $0xE480, s6  }
0x1f2: {  	[tilespmem:s7], [sflag:$0x1] =	stream.indirect.gather [hbm4b:s5+s10], $0x1, s18, s10, $0xb8;
	[tilespmem:$0x12D20] =	vst v63  }
0x1f3: {  	s7 =	sadd.s32 $0x8100, s6;
	s18 =	sadd.s32 $0x1D00, s6  }
0x1f4: {  	[tilespmem:s7], [sflag:$0x1] =	stream.indirect.gather [hbm4b:s4+s10], $0x1, s18, s10, $0xb8;
	[tilespmem:$0x12D20] =	vst v63  }
0x1f5: {  	s7 =	sadd.s32 $0xE500, s6  }
0x1f6: {  	[tilespmem:s7], [sflag:$0x1] =	stream.indirect.gather [hbm4b:s5+s10], $0x1, s18, s10, $0xb8;
	[tilespmem:$0x12D20] =	vst v63  }
.Ltmp3:
0x1f7: {  	_ = 	snop;
	(pc) =	sbr.rel .LBB2_4-.Ltmp3, $4  }
0x1f8: {  	s7 =	sadd.s32 $0x8180, s6;
	s18 =	sadd.s32 $0x1D80, s6  }
0x1f9: {  	[tilespmem:s7], [sflag:$0x1] =	stream.indirect.gather [hbm4b:s4+s10], $0x1, s18, s10, $0xb8;
	[tilespmem:$0x12D20] =	vst v63  }
0x1fa: {  	s7 =	sadd.s32 $0xE580, s6  }
0x1fb: {  	[tilespmem:s7], [sflag:$0x1] =	stream.indirect.gather [hbm4b:s5+s10], $0x1, s18, s10, $0xb8;
	[tilespmem:$0x12D20] =	vst v63  }
.LBB2_5:
0x1fc: {  	s7 =	simm.s32 $0x0  }
0x1fd: {  	v0 =	vld [tilespmem:s7+$0xC870]  }
0x1fe: {  	v1 =	vld [tilespmem:s7+$0x6400]  }
0x1ff: {  	v2 =	vld [tilespmem:s7+$0xC800]  }
0x200: {  	v3 =	vld [tilespmem:s7+$0x6410]  }
0x201: {  	v4 =	vld [tilespmem:s7+$0xC810]  }
0x202: {  	v5 =	vld [tilespmem:s7+$0x6420]  }
0x203: {  	v12 =	vld [tilespmem:s7+$0xC820]  }
0x204: {  	v13 =	vld [tilespmem:s7+$0x6430]  }
0x205: {  	v14 =	vld [tilespmem:s7+$0xC830]  }
0x206: {  	v11 =	vimm.f32 $0.0e+00;
	v15 =	vld [tilespmem:s7+$0x6440]  }
0x207: {  	v20 =	vld [tilespmem:s7+$0xC840];
	v0 =	vadd.f32 v0, v11  }
0x208: {  	v10 =	vadd.f32 v1, v11;
	v9 =	vadd.f32 v2, v11  }
0x209: {  	v16 =	vld [tilespmem:s7+$0x6450];
	v8 =	vadd.f32 v3, v11;
	v7 =	vadd.f32 v4, v11  }
0x20a: {  	v17 =	vld [tilespmem:s7+$0xC850];
	v6 =	vadd.f32 v5, v11;
	v5 =	vadd.f32 v12, v11  }
0x20b: {  	v18 =	vld [tilespmem:s7+$0x6460];
	v4 =	vadd.f32 v13, v11;
	v3 =	vadd.f32 v14, v11  }
0x20c: {  	v19 =	vld [tilespmem:s7+$0xC860];
	v2 =	vadd.f32 v15, v11;
	v1 =	vadd.f32 v20, v11;
	v12 =	vimm.f32 $0.0e+00  }
0x20d: {  	s6 =	simm.s32 $0x80;
	s23 =	simm.s32 $0x400;
	v20 =	vld [tilespmem:s7+$0x6470];
	v15 =	vimm.f32 $0.0e+00;
	v14 =	vimm.f32 $0.0e+00;
	v13 =	vimm.f32 $0.0e+00  }
.LBB2_6:
0x20e: {  	p0 =	sne.s32 s23, $0x18E00;
	v21 =	vld [tilespmem:s6+$0xC870];
	v11 =	vadd.f32 v16, v11  }
0x20f: {  	v16 =	vld [tilespmem:s6+$0x6400];
	v12 =	vadd.f32 v17, v12  }
0x210: {  	v17 =	vld [tilespmem:s6+$0xC800];
	v15 =	vadd.f32 v18, v15  }
0x211: {  	v18 =	vld [tilespmem:s6+$0x6410];
	v14 =	vadd.f32 v19, v14  }
0x212: {  	v19 =	vld [tilespmem:s6+$0xC810];
	v13 =	vadd.f32 v20, v13  }
0x213: {  	v20 =	vld [tilespmem:s6+$0x6420];
	v0 =	vadd.f32 v21, v0  }
0x214: {  	v10 =	vadd.f32 v16, v10;
	v16 =	vld [tilespmem:s6+$0xC820]  }
0x215: {  	v9 =	vadd.f32 v17, v9;
	v17 =	vld [tilespmem:s6+$0x6430]  }
0x216: {  	v8 =	vadd.f32 v18, v8;
	v18 =	vld [tilespmem:s6+$0xC830]  }
0x217: {  	v7 =	vadd.f32 v19, v7;
	v19 =	vld [tilespmem:s6+$0x6440]  }
0x218: {  	v6 =	vadd.f32 v20, v6;
	v20 =	vld [tilespmem:s6+$0xC840]  }
.Ltmp4:
0x219: {  	v5 =	vadd.f32 v16, v5;
	v16 =	vld [tilespmem:s6+$0x6450];
	(pc) =	sbr.rel @p0 .LBB2_6-.Ltmp4, $4  }
0x21a: {  	v4 =	vadd.f32 v17, v4;
	v17 =	vld [tilespmem:s6+$0xC850]  }
0x21b: {  	v3 =	vadd.f32 v18, v3;
	v18 =	vld [tilespmem:s6+$0x6460]  }
0x21c: {  	v2 =	vadd.f32 v19, v2;
	v19 =	vld [tilespmem:s6+$0xC860]  }
0x21d: {  	v1 =	vadd.f32 v20, v1;
	v20 =	vld [tilespmem:s6+$0x6470];
	s6 =	sshra.s32 s23, $0x2;
	s23 =	sadd.s32 $0x200, s23  }
0x21e: {  	v21 =	vld [tilespmem:s6+$0xC870]  }
0x21f: {  	v22 =	vld [tilespmem:s6+$0x6400]  }
0x220: {  	v23 =	vld [tilespmem:s6+$0xC800]  }
0x221: {  	v24 =	vld [tilespmem:s6+$0x6410]  }
0x222: {  	v25 =	vld [tilespmem:s6+$0xC810]  }
0x223: {  	v26 =	vld [tilespmem:s6+$0x6420]  }
0x224: {  	v27 =	vld [tilespmem:s6+$0xC820]  }
0x225: {  	v28 =	vld [tilespmem:s6+$0x6430]  }
0x226: {  	v29 =	vld [tilespmem:s6+$0xC830]  }
0x227: {  	v30 =	vld [tilespmem:s6+$0x6440]  }
0x228: {  	v31 =	vld [tilespmem:s6+$0xC840]  }
0x229: {  	v32 =	vld [tilespmem:s6+$0x6450]  }
0x22a: {  	v33 =	vld [tilespmem:s6+$0xC850]  }
0x22b: {  	v34 =	vld [tilespmem:s6+$0x6460]  }
0x22c: {  	v35 =	vld [tilespmem:s6+$0xC860]  }
0x22d: {  	v36 =	vld [tilespmem:s6+$0x6470]  }
0x22e: {  	v37 =	vld [tilespmem:$0x12C00]  }
0x22f: {  	v11 =	vadd.f32 v16, v11;
	v39 =	vld [tilespmem:$0x12C10]  }
0x230: {  	v40 =	vld [tilespmem:$0x12C00];
	v12 =	vadd.f32 v17, v12;
	v15 =	vadd.f32 v18, v15  }
0x231: {  	v41 =	vld [tilespmem:$0x12C10];
	v14 =	vadd.f32 v19, v14;
	v10 =	vadd.f32 v22, v10  }
0x232: {  	v42 =	vld [tilespmem:$0x12C00];
	v13 =	vadd.f32 v20, v13;
	v9 =	vadd.f32 v23, v9  }
0x233: {  	v43 =	vld [tilespmem:$0x12C10];
	v8 =	vadd.f32 v24, v8;
	v10 =	vadd.f32 v37, v10  }
0x234: {  	v44 =	vld [tilespmem:$0x12C00];
	v7 =	vadd.f32 v25, v7;
	v9 =	vadd.f32 v39, v9  }
0x235: {  	v45 =	vld [tilespmem:$0x12C10];
	v6 =	vadd.f32 v26, v6;
	v8 =	vadd.f32 v40, v8;
	[tilespmem:$0x12C20] =	vst v10  }
0x236: {  	v46 =	vld [tilespmem:$0x12C00];
	v5 =	vadd.f32 v27, v5;
	v7 =	vadd.f32 v41, v7;
	[tilespmem:$0x12CA0] =	vst v9  }
0x237: {  	v47 =	vld [tilespmem:$0x12C10];
	v4 =	vadd.f32 v28, v4;
	v6 =	vadd.f32 v42, v6;
	[tilespmem:$0x12C30] =	vst v8  }
0x238: {  	v48 =	vld [tilespmem:$0x12C00];
	v3 =	vadd.f32 v29, v3;
	v5 =	vadd.f32 v43, v5;
	[tilespmem:$0x12CB0] =	vst v7  }
0x239: {  	v49 =	vld [tilespmem:$0x12C10];
	v2 =	vadd.f32 v30, v2;
	v4 =	vadd.f32 v44, v4;
	[tilespmem:$0x12C40] =	vst v6  }
0x23a: {  	v50 =	vld [tilespmem:$0x12C00];
	v1 =	vadd.f32 v31, v1;
	v3 =	vadd.f32 v45, v3;
	[tilespmem:$0x12CC0] =	vst v5  }
0x23b: {  	v52 =	vld [tilespmem:$0x12C10];
	v51 =	vadd.f32 v32, v11;
	v2 =	vadd.f32 v46, v2;
	[tilespmem:$0x12C50] =	vst v4  }
0x23c: {  	v57 =	vld [tilespmem:$0x12C10];
	v53 =	vadd.f32 v33, v12;
	v1 =	vadd.f32 v47, v1;
	[tilespmem:$0x12CD0] =	vst v3  }
0x23d: {  	v54 =	vld [tilespmem:$0x12C00];
	v55 =	vadd.f32 v34, v15;
	v56 =	vadd.f32 v48, v51;
	[tilespmem:$0x12C60] =	vst v2  }
0x23e: {  	v58 =	vadd.f32 v35, v14;
	v59 =	vadd.f32 v49, v53;
	[tilespmem:$0x12CE0] =	vst v1  }
0x23f: {  	v0 =	vadd.f32 v21, v0;
	v61 =	vadd.f32 v50, v55;
	[tilespmem:$0x12C70] =	vst v56  }
0x240: {  	v60 =	vadd.f32 v36, v13;
	v62 =	vadd.f32 v52, v58;
	[tilespmem:$0x12CF0] =	vst v59  }
0x241: {  	v0 =	vadd.f32 v57, v0;
	[tilespmem:$0x12C80] =	vst v61  }
0x242: {  	v63 =	vadd.f32 v54, v60;
	[tilespmem:$0x12D00] =	vst v62  }
0x243: {  	[tilespmem:$0x12D10] =	vst v0  }
0x244: {  	s18 =	rddreg [dreg:$0x4];
	s7 =	simm.s32 $0x12C20;
	[tilespmem:$0x12C90] =	vst v63  }
0x245: {  	[hbm4b:s18+s3] =	stream.linear.scatter [tilespmem:s7], [sflag:$0x3], $0x80, $0x38;
	[tilespmem:$0x12D20] =	vst v63  }
0x246: {  	s20 =	sadd.s32 $0x1, s20;
	_ =	swait.ge [sflag:s12], $0x80  }
0x247: {  	p0 =	sne.s32 s20, s9;
	[sflag:s12] =	ssyncset.done $0x0  }
.Ltmp5:
0x248: {  	s23 =	simm.s32 $0x12CA0;
	[sflag:s12] =	ssyncadd.s32 $0xFFFFFF80;
	(pc) =	sbr.rel @p0 .LBB2_1-.Ltmp5, $4  }
0x249: {  	[hbm4b:s8+s3] =	stream.linear.scatter [tilespmem:s23], [sflag:$0x3], $0x80, $0x38;
	[tilespmem:$0x12D20] =	vst v63  }
0x24a: {  	_ =	swait.ge [sflag:s12], $0x80  }
0x24b: {  	[sflag:s12] =	ssyncset.done $0x0  }
0x24c: {  	[sflag:s12] =	ssyncadd.s32 $0xFFFFFF80  }
0x24d: {  	_ =	sfence.sel $0x180000  }
0x24e: {  	[bflag:$0x0] =	sbarrier.arrive $0xFFFF  }
0x24f: {  	_ =	strace $0x90000047  }
0x250: {  	s0 =	stileid.u32;
	[bflag:$0x2] =	sbarrier.arrive $0xFFFF  }
0x251: {  	p0 =	sne.s32 s0, $0x0;
	s0 =	rddreg [dreg:$0x2]  }
0x252: {  	s0 =	sadd.s32 @!p0 $0x100000, s0  }
0x253: {  	[sflag:s0] =	ssyncadd.tile.s32 @!p0 $0x1;
	_ =	shalt  }
.Lfunc_end2:
_tile_overlayer_lowered:
.L_overlay_start_2:
0x254: {  	(tag) =	ssettag $0x2  }
0x255: {  	s0 =	rddreg [dreg:$0x0];
	s2 =	stileid.u32  }
0x256: {  	s1 =	rddreg [dreg:$0x1];
	p0 =	sne.s32 s2, $0x0  }
0x257: {  	s3 =	rddreg [dreg:$0x2];
	[bflag:$0x3] =	sbarrier.arrive $0xFFFF;
	s2 =	simm.s32 @!p0 $0x1C03  }
0x258: {  	[timem:s3], [sflag:s2] =	dma.local @!p0 [hbm:s0], s1  }
0x259: {  	s0 =	simm.s32 @!p0 $0x3  }
0x25a: {  	_ =	swait.ge @!p0 [sflag:s0], s1  }
0x25b: {  	s1 =	ssub.s32 @!p0 $0x0, s1;
	[sflag:s0] =	ssyncset.done @!p0 $0x0  }
0x25c: {  	[sflag:s0] =	ssyncadd.s32 @!p0 s1  }
0x25d: {  	[bflag:$0x3] =	sbarrier.arrive $0xFFFF  }
0x25e: {  	_ =	shalt  }

</sc_bundles>
